<compile_context>
chip_gen: v7x
topology: tpu7x:2x2x1
jax: 0.10.2.dev20260603
libtpu: 0.0.44.dev20260713+nightly
codegen_flags: <defaults>
</compile_context>

<pallas_src>
import functools

import jax
import jax.numpy as jnp
from jax import lax
from jax.experimental import pallas as pl
from jax.experimental.pallas import tpu as pltpu
from jax.experimental.pallas import tpu_sc as plsc

D = 128
T = 200
CHUNK = 128
NBUF = 5


@functools.lru_cache(maxsize=None)
def _build(n_rows: int):
    info = plsc.get_sparse_core_info()
    nw = info.num_cores * info.num_subcores
    rows_per_w = n_rows // nw
    n_chunks = rows_per_w // CHUNK
    assert n_rows == nw * n_chunks * CHUNK
    assert n_chunks >= 2 * NBUF and (n_chunks - NBUF) % NBUF == 0
    mesh = plsc.VectorSubcoreMesh(core_axis_name="c", subcore_axis_name="s")

    @functools.partial(
        pl.kernel,
        mesh=mesh,
        out_type=jax.ShapeDtypeStruct((n_rows, D), jnp.float32),
        scratch_types=[
            pltpu.VMEM((NBUF, CHUNK), jnp.int32),
            *([pltpu.VMEM((CHUNK, D), jnp.float32)] * NBUF),
            pltpu.VMEM_SHARED((2 * T, D), jnp.float32),
            *([pltpu.SemaphoreType.DMA] * (3 * NBUF)),
        ],
    )
    def k(ids_hbm, tok_hbm, pos_hbm, out_hbm, idx_v, *bufs):
        rows = bufs[:NBUF]
        pos_v = bufs[NBUF]
        psem = bufs[NBUF + 1:2 * NBUF + 1]
        gsem = bufs[2 * NBUF + 1:3 * NBUF + 1]
        ssem = bufs[3 * NBUF + 1:]
        wid = lax.axis_index("s") * info.num_cores + lax.axis_index("c")

        def start_prefill(c, b):
            po = lax.rem((wid + nw * c) * CHUNK, T)
            pltpu.async_copy(pos_v.at[pl.ds(po, CHUNK)], rows[b], psem[b])

        def wait_prefill(b):
            pltpu.make_async_copy(pos_v.at[pl.ds(0, CHUNK)], rows[b],
                                  psem[b]).wait()

        def start_gather(c, b):
            pltpu.sync_copy(ids_hbm.at[pl.ds((wid + nw * c) * CHUNK, CHUNK)],
                            idx_v.at[b])
            pltpu.async_copy(tok_hbm.at[idx_v.at[b]], rows[b], gsem[b],
                             add=True)

        def wait_gather(b):
            pltpu.make_async_copy(tok_hbm.at[idx_v.at[b]], rows[b],
                                  gsem[b]).wait()

        def start_scatter(c, b):
            pltpu.async_copy(rows[b],
                             out_hbm.at[pl.ds((wid + nw * c) * CHUNK,
                                              CHUNK)], ssem[b])

        def wait_scatter(b):
            pltpu.make_async_copy(rows[b], out_hbm.at[pl.ds(0, CHUNK)],
                                  ssem[b]).wait()

        @pl.when(lax.axis_index("s") == 0)
        def _stage_pos():
            pltpu.sync_copy(pos_hbm, pos_v.at[pl.ds(0, T)])
            pltpu.sync_copy(pos_hbm, pos_v.at[pl.ds(T, T)])

        plsc.subcore_barrier()

        for j in range(NBUF - 1):
            start_prefill(j, j)
        for j in range(NBUF - 2):
            wait_prefill(j)
            start_gather(j, j)

        wait_gather(0)
        start_scatter(0, 0)
        start_prefill(NBUF - 1, NBUF - 1)
        wait_prefill(NBUF - 2)
        start_gather(NBUF - 2, NBUF - 2)

        def group(i, _):
            c0 = 1 + i * NBUF
            for j in range(NBUF):
                b = (1 + j) % NBUF
                c = c0 + j
                wait_gather(b)
                start_scatter(c, b)
                wait_scatter((b + NBUF - 1) % NBUF)
                start_prefill(c + NBUF - 1, (b + NBUF - 1) % NBUF)
                wait_prefill((b + NBUF - 2) % NBUF)
                start_gather(c + NBUF - 2, (b + NBUF - 2) % NBUF)
            return 0

        lax.fori_loop(0, (n_chunks - NBUF) // NBUF, group, 0)

        c = n_chunks - (NBUF - 1)
        b = c % NBUF
        wait_gather(b)
        start_scatter(c, b)
        wait_scatter((b + NBUF - 1) % NBUF)
        wait_prefill((b + NBUF - 2) % NBUF)
        start_gather(c + NBUF - 2, (b + NBUF - 2) % NBUF)
        for j in range(1, NBUF - 1):
            c = n_chunks - (NBUF - 1) + j
            b = c % NBUF
            wait_gather(b)
            start_scatter(c, b)
            wait_scatter((b + NBUF - 1) % NBUF)

        wait_scatter((n_chunks - 1) % NBUF)

    return k


def kernel(input_ids, tok_table, pos_table):
    b, t = input_ids.shape
    ids = input_ids.reshape(-1).astype(jnp.int32)
    out = _build(b * t)(ids, tok_table, pos_table)
    return out.reshape(b, t, D)

# --- scband reference (transcript-rebuilt; emitter-appended) ---
"""Pipeline reference for scband-text-embedding-62362925138819 (READ-ONLY COPY).

The authoritative reference and input builder live on the scoring server;
editing this copy changes nothing except your own understanding.
"""

import jax, jax.numpy as jnp
import numpy as np

VOCAB = 100000
D = 128
MAXLEN = 200
PAD = 0
B = 1024
T = 200


def setup_inputs(seed: int = 0) -> dict:
    key = jax.random.key(seed)
    k1, k2, k3 = jax.random.split(key, 3)
    input_ids = jax.random.randint(k1, (B, T), 0, VOCAB)
    tok_table = jax.random.normal(k2, (VOCAB, D), dtype=jnp.float32)
    # nn.Embedding with padding_idx zeros that row at init
    tok_table = tok_table.at[PAD].set(0.0)
    pos_table = jax.random.normal(k3, (MAXLEN, D), dtype=jnp.float32)
    return {"input_ids": input_ids, "tok_table": tok_table, "pos_table": pos_table}


def reference(input_ids, tok_table, pos_table):
    # token embedding gather
    x = jnp.take(tok_table, input_ids, axis=0)  # [B, T, D]
    # learned positional embeddings, broadcast over batch
    t = x.shape[1]
    pos_ids = jnp.arange(t)
    pos_emb = jnp.take(pos_table, pos_ids, axis=0)  # [T, D]
    x = x + pos_emb[None, :, :]
    return x

if __name__ == "__main__":
    import jax
    _d = setup_inputs()
    print(jax.jit(kernel)(*tuple(_d.values())))

</pallas_src>

<mosaic_0001>
#map = affine_map<(d0, d1) -> (0)>
#map1 = affine_map<(d0, d1) -> (0, 0)>
module attributes {stable_mosaic.version = 14 : i64} {
  func.func @k(%arg0: i32, %arg1: i32, %arg2: memref<204800xi32, #tpu.memory_space<hbm>>, %arg3: memref<100000x128xf32, #tpu.memory_space<hbm>>, %arg4: memref<200x128xf32, #tpu.memory_space<hbm>>, %arg5: memref<204800x128xf32, #tpu.memory_space<hbm>>, %arg6: memref<5x128xi32, #tpu.memory_space<vmem>>, %arg7: memref<128x128xf32, #tpu.memory_space<vmem>>, %arg8: memref<128x128xf32, #tpu.memory_space<vmem>>, %arg9: memref<128x128xf32, #tpu.memory_space<vmem>>, %arg10: memref<128x128xf32, #tpu.memory_space<vmem>>, %arg11: memref<128x128xf32, #tpu.memory_space<vmem>>, %arg12: memref<400x128xf32, #tpu.memory_space<vmem_shared>>, %arg13: memref<!tpu.dma_semaphore, #tpu.memory_space<semaphore_mem>>, %arg14: memref<!tpu.dma_semaphore, #tpu.memory_space<semaphore_mem>>, %arg15: memref<!tpu.dma_semaphore, #tpu.memory_space<semaphore_mem>>, %arg16: memref<!tpu.dma_semaphore, #tpu.memory_space<semaphore_mem>>, %arg17: memref<!tpu.dma_semaphore, #tpu.memory_space<semaphore_mem>>, %arg18: memref<!tpu.dma_semaphore, #tpu.memory_space<semaphore_mem>>, %arg19: memref<!tpu.dma_semaphore, #tpu.memory_space<semaphore_mem>>, %arg20: memref<!tpu.dma_semaphore, #tpu.memory_space<semaphore_mem>>, %arg21: memref<!tpu.dma_semaphore, #tpu.memory_space<semaphore_mem>>, %arg22: memref<!tpu.dma_semaphore, #tpu.memory_space<semaphore_mem>>, %arg23: memref<!tpu.dma_semaphore, #tpu.memory_space<semaphore_mem>>, %arg24: memref<!tpu.dma_semaphore, #tpu.memory_space<semaphore_mem>>, %arg25: memref<!tpu.dma_semaphore, #tpu.memory_space<semaphore_mem>>, %arg26: memref<!tpu.dma_semaphore, #tpu.memory_space<semaphore_mem>>, %arg27: memref<!tpu.dma_semaphore, #tpu.memory_space<semaphore_mem>>) attributes {dimension_semantics = [#tpu.dimension_semantics<core_parallel>, #tpu.dimension_semantics<subcore_parallel>], iteration_bounds = array<i64: 2, 16>, scalar_prefetch = 0 : i64, scratch_operands = 22 : i64, tpu.core_type = #tpu.core_type<sc_vector_subcore>, window_params = [{transform_indices = #map}, {transform_indices = #map1}, {transform_indices = #map1}, {transform_indices = #map1}]} {
    %mul3A = arith.constant 2 : i32
    %mul3A_0 = arith.muli %arg1, %mul3A : i32
    %add3A = arith.addi %mul3A_0, %arg0 : i32
    %eq3A = arith.constant 0 : i32
    %eq3A_1 = arith.cmpi eq, %arg1, %eq3A : i32
    %convert_element_type3A = arith.extui %eq3A_1 : i1 to i32
    %cond3A = arith.constant 0 : i32
    %cond3A_2 = arith.cmpi ne, %convert_element_type3A, %cond3A : i32
    scf.if %cond3A_2 {
      "tpu.region"() ({
        %run_scoped3A_250 = tpu.sem_alloc : memref<!tpu.dma_semaphore, #tpu.memory_space<semaphore_mem>>
        %dma_start3A_251 = arith.constant 0 : i32
        %dma_start3A_252 = arith.constant 0 : i32
        %dma_start3A_253 = tpu.memref_slice %arg12[%dma_start3A_251, %dma_start3A_252] : memref<400x128xf32, #tpu.memory_space<vmem_shared>> -> memref<200x128xf32, #tpu.memory_space<vmem_shared>>
        tpu.enqueue_dma source(%arg4 : memref<200x128xf32, #tpu.memory_space<hbm>>) target(%dma_start3A_253 : memref<200x128xf32, #tpu.memory_space<vmem_shared>>) target_semaphore(%run_scoped3A_250 : memref<!tpu.dma_semaphore, #tpu.memory_space<semaphore_mem>>)
        %dma_wait3A_254 = arith.constant 0 : i32
        %dma_wait3A_255 = arith.constant 0 : i32
        %dma_wait3A_256 = tpu.memref_slice %arg12[%dma_wait3A_254, %dma_wait3A_255] : memref<400x128xf32, #tpu.memory_space<vmem_shared>> -> memref<200x128xf32, #tpu.memory_space<vmem_shared>>
        tpu.wait_dma2 semaphore(%run_scoped3A_250 : memref<!tpu.dma_semaphore, #tpu.memory_space<semaphore_mem>>) src(%arg4 : memref<200x128xf32, #tpu.memory_space<hbm>>) dst(%dma_wait3A_256 : memref<200x128xf32, #tpu.memory_space<vmem_shared>>)
        tpu.yield
      }) : () -> ()
      "tpu.region"() ({
        %run_scoped3A_250 = tpu.sem_alloc : memref<!tpu.dma_semaphore, #tpu.memory_space<semaphore_mem>>
        %dma_start3A_251 = arith.constant 200 : i32
        %dma_start3A_252 = arith.constant 0 : i32
        %dma_start3A_253 = tpu.memref_slice %arg12[%dma_start3A_251, %dma_start3A_252] : memref<400x128xf32, #tpu.memory_space<vmem_shared>> -> memref<200x128xf32, #tpu.memory_space<vmem_shared>>
        tpu.enqueue_dma source(%arg4 : memref<200x128xf32, #tpu.memory_space<hbm>>) target(%dma_start3A_253 : memref<200x128xf32, #tpu.memory_space<vmem_shared>>) target_semaphore(%run_scoped3A_250 : memref<!tpu.dma_semaphore, #tpu.memory_space<semaphore_mem>>)
        %dma_wait3A_254 = arith.constant 200 : i32
        %dma_wait3A_255 = arith.constant 0 : i32
        %dma_wait3A_256 = tpu.memref_slice %arg12[%dma_wait3A_254, %dma_wait3A_255] : memref<400x128xf32, #tpu.memory_space<vmem_shared>> -> memref<200x128xf32, #tpu.memory_space<vmem_shared>>
        tpu.wait_dma2 semaphore(%run_scoped3A_250 : memref<!tpu.dma_semaphore, #tpu.memory_space<semaphore_mem>>) src(%arg4 : memref<200x128xf32, #tpu.memory_space<hbm>>) dst(%dma_wait3A_256 : memref<200x128xf32, #tpu.memory_space<vmem_shared>>)
        tpu.yield
      }) : () -> ()
    } else {
    }
    %barrier3A = arith.constant 0 : index
    tpu.barrier barrier_id(%barrier3A)
    %add3A_3 = arith.constant 0 : i32
    %add3A_4 = arith.addi %add3A, %add3A_3 : i32
    %mul3A_5 = arith.constant 128 : i32
    %mul3A_6 = arith.muli %add3A_4, %mul3A_5 : i32
    %rem3A = arith.constant 200 : i32
    %rem3A_7 = arith.remsi %mul3A_6, %rem3A : i32
    %dma_start3A = arith.constant 0 : i32
    %dma_start3A_8 = tpu.memref_slice %arg12[%rem3A_7, %dma_start3A] : memref<400x128xf32, #tpu.memory_space<vmem_shared>> -> memref<128x128xf32, #tpu.memory_space<vmem_shared>>
    %dma_start3A_9 = arith.constant 0 : i32
    %dma_start3A_10 = tpu.memref_slice %arg12[%rem3A_7, %dma_start3A_9] : memref<400x128xf32, #tpu.memory_space<vmem_shared>> -> memref<128x128xf32, #tpu.memory_space<vmem_shared>>
    tpu.enqueue_dma source(%dma_start3A_10 : memref<128x128xf32, #tpu.memory_space<vmem_shared>>) target(%arg7 : memref<128x128xf32, #tpu.memory_space<vmem>>) target_semaphore(%arg13 : memref<!tpu.dma_semaphore, #tpu.memory_space<semaphore_mem>>)
    %add3A_11 = arith.constant 32 : i32
    %add3A_12 = arith.addi %add3A, %add3A_11 : i32
    %mul3A_13 = arith.constant 128 : i32
    %mul3A_14 = arith.muli %add3A_12, %mul3A_13 : i32
    %rem3A_15 = arith.constant 200 : i32
    %rem3A_16 = arith.remsi %mul3A_14, %rem3A_15 : i32
    %dma_start3A_17 = arith.constant 0 : i32
    %dma_start3A_18 = tpu.memref_slice %arg12[%rem3A_16, %dma_start3A_17] : memref<400x128xf32, #tpu.memory_space<vmem_shared>> -> memref<128x128xf32, #tpu.memory_space<vmem_shared>>
    %dma_start3A_19 = arith.constant 0 : i32
    %dma_start3A_20 = tpu.memref_slice %arg12[%rem3A_16, %dma_start3A_19] : memref<400x128xf32, #tpu.memory_space<vmem_shared>> -> memref<128x128xf32, #tpu.memory_space<vmem_shared>>
    tpu.enqueue_dma source(%dma_start3A_20 : memref<128x128xf32, #tpu.memory_space<vmem_shared>>) target(%arg8 : memref<128x128xf32, #tpu.memory_space<vmem>>) target_semaphore(%arg14 : memref<!tpu.dma_semaphore, #tpu.memory_space<semaphore_mem>>)
    %add3A_21 = arith.constant 64 : i32
    %add3A_22 = arith.addi %add3A, %add3A_21 : i32
    %mul3A_23 = arith.constant 128 : i32
    %mul3A_24 = arith.muli %add3A_22, %mul3A_23 : i32
    %rem3A_25 = arith.constant 200 : i32
    %rem3A_26 = arith.remsi %mul3A_24, %rem3A_25 : i32
    %dma_start3A_27 = arith.constant 0 : i32
    %dma_start3A_28 = tpu.memref_slice %arg12[%rem3A_26, %dma_start3A_27] : memref<400x128xf32, #tpu.memory_space<vmem_shared>> -> memref<128x128xf32, #tpu.memory_space<vmem_shared>>
    %dma_start3A_29 = arith.constant 0 : i32
    %dma_start3A_30 = tpu.memref_slice %arg12[%rem3A_26, %dma_start3A_29] : memref<400x128xf32, #tpu.memory_space<vmem_shared>> -> memref<128x128xf32, #tpu.memory_space<vmem_shared>>
    tpu.enqueue_dma source(%dma_start3A_30 : memref<128x128xf32, #tpu.memory_space<vmem_shared>>) target(%arg9 : memref<128x128xf32, #tpu.memory_space<vmem>>) target_semaphore(%arg15 : memref<!tpu.dma_semaphore, #tpu.memory_space<semaphore_mem>>)
    %add3A_31 = arith.constant 96 : i32
    %add3A_32 = arith.addi %add3A, %add3A_31 : i32
    %mul3A_33 = arith.constant 128 : i32
    %mul3A_34 = arith.muli %add3A_32, %mul3A_33 : i32
    %rem3A_35 = arith.constant 200 : i32
    %rem3A_36 = arith.remsi %mul3A_34, %rem3A_35 : i32
    %dma_start3A_37 = arith.constant 0 : i32
    %dma_start3A_38 = tpu.memref_slice %arg12[%rem3A_36, %dma_start3A_37] : memref<400x128xf32, #tpu.memory_space<vmem_shared>> -> memref<128x128xf32, #tpu.memory_space<vmem_shared>>
    %dma_start3A_39 = arith.constant 0 : i32
    %dma_start3A_40 = tpu.memref_slice %arg12[%rem3A_36, %dma_start3A_39] : memref<400x128xf32, #tpu.memory_space<vmem_shared>> -> memref<128x128xf32, #tpu.memory_space<vmem_shared>>
    tpu.enqueue_dma source(%dma_start3A_40 : memref<128x128xf32, #tpu.memory_space<vmem_shared>>) target(%arg10 : memref<128x128xf32, #tpu.memory_space<vmem>>) target_semaphore(%arg16 : memref<!tpu.dma_semaphore, #tpu.memory_space<semaphore_mem>>)
    %dma_wait3A = arith.constant 0 : i32
    %dma_wait3A_41 = arith.constant 0 : i32
    %dma_wait3A_42 = tpu.memref_slice %arg12[%dma_wait3A, %dma_wait3A_41] : memref<400x128xf32, #tpu.memory_space<vmem_shared>> -> memref<128x128xf32, #tpu.memory_space<vmem_shared>>
    %dma_wait3A_43 = arith.constant 0 : i32
    %dma_wait3A_44 = arith.constant 0 : i32
    %dma_wait3A_45 = tpu.memref_slice %arg12[%dma_wait3A_43, %dma_wait3A_44] : memref<400x128xf32, #tpu.memory_space<vmem_shared>> -> memref<128x128xf32, #tpu.memory_space<vmem_shared>>
    tpu.wait_dma2 semaphore(%arg13 : memref<!tpu.dma_semaphore, #tpu.memory_space<semaphore_mem>>) src(%dma_wait3A_45 : memref<128x128xf32, #tpu.memory_space<vmem_shared>>) dst(%arg7 : memref<128x128xf32, #tpu.memory_space<vmem>>)
    %add3A_46 = arith.constant 0 : i32
    %add3A_47 = arith.addi %add3A, %add3A_46 : i32
    %mul3A_48 = arith.constant 128 : i32
    %mul3A_49 = arith.muli %add3A_47, %mul3A_48 : i32
    %run_scoped3A = arith.constant 0 : i32
    "tpu.region"() ({
      %run_scoped3A_250 = tpu.sem_alloc : memref<!tpu.dma_semaphore, #tpu.memory_space<semaphore_mem>>
      %dma_start3A_251 = arith.constant 0 : i32
      %dma_start3A_252 = tpu.memref_slice %arg6[%run_scoped3A, %dma_start3A_251] : memref<5x128xi32, #tpu.memory_space<vmem>> -> memref<1x128xi32, #tpu.memory_space<vmem>>
      %dma_start3A_253 = tpu.memref_squeeze %dma_start3A_252 : memref<1x128xi32, #tpu.memory_space<vmem>> -> memref<128xi32, #tpu.memory_space<vmem>>
      %dma_start3A_254 = tpu.memref_slice %arg2[%mul3A_49] : memref<204800xi32, #tpu.memory_space<hbm>> -> memref<128xi32, #tpu.memory_space<hbm>>
      %dma_start3A_255 = arith.constant 0 : i32
      %dma_start3A_256 = tpu.memref_slice %arg6[%run_scoped3A, %dma_start3A_255] : memref<5x128xi32, #tpu.memory_space<vmem>> -> memref<1x128xi32, #tpu.memory_space<vmem>>
      %dma_start3A_257 = tpu.memref_squeeze %dma_start3A_256 : memref<1x128xi32, #tpu.memory_space<vmem>> -> memref<128xi32, #tpu.memory_space<vmem>>
      %dma_start3A_258 = tpu.memref_slice %arg2[%mul3A_49] : memref<204800xi32, #tpu.memory_space<hbm>> -> memref<128xi32, #tpu.memory_space<hbm>>
      tpu.enqueue_dma source(%dma_start3A_258 : memref<128xi32, #tpu.memory_space<hbm>>) target(%dma_start3A_257 : memref<128xi32, #tpu.memory_space<vmem>>) target_semaphore(%run_scoped3A_250 : memref<!tpu.dma_semaphore, #tpu.memory_space<semaphore_mem>>)
      %dma_wait3A_259 = arith.constant 0 : i32
      %dma_wait3A_260 = tpu.memref_slice %arg6[%run_scoped3A, %dma_wait3A_259] : memref<5x128xi32, #tpu.memory_space<vmem>> -> memref<1x128xi32, #tpu.memory_space<vmem>>
      %dma_wait3A_261 = tpu.memref_squeeze %dma_wait3A_260 : memref<1x128xi32, #tpu.memory_space<vmem>> -> memref<128xi32, #tpu.memory_space<vmem>>
      %dma_wait3A_262 = tpu.memref_slice %arg2[%mul3A_49] : memref<204800xi32, #tpu.memory_space<hbm>> -> memref<128xi32, #tpu.memory_space<hbm>>
      %dma_wait3A_263 = arith.constant 0 : i32
      %dma_wait3A_264 = tpu.memref_slice %arg6[%run_scoped3A, %dma_wait3A_263] : memref<5x128xi32, #tpu.memory_space<vmem>> -> memref<1x128xi32, #tpu.memory_space<vmem>>
      %dma_wait3A_265 = tpu.memref_squeeze %dma_wait3A_264 : memref<1x128xi32, #tpu.memory_space<vmem>> -> memref<128xi32, #tpu.memory_space<vmem>>
      %dma_wait3A_266 = tpu.memref_slice %arg2[%mul3A_49] : memref<204800xi32, #tpu.memory_space<hbm>> -> memref<128xi32, #tpu.memory_space<hbm>>
      tpu.wait_dma2 semaphore(%run_scoped3A_250 : memref<!tpu.dma_semaphore, #tpu.memory_space<semaphore_mem>>) src(%dma_wait3A_266 : memref<128xi32, #tpu.memory_space<hbm>>) dst(%dma_wait3A_265 : memref<128xi32, #tpu.memory_space<vmem>>)
      tpu.yield
    }) : () -> ()
    %dma_start3A_50 = arith.constant 0 : i32
    %dma_start3A_51 = arith.constant 0 : i32
    %dma_start3A_52 = tpu.memref_slice %arg6[%dma_start3A_50, %dma_start3A_51] : memref<5x128xi32, #tpu.memory_space<vmem>> -> memref<1x128xi32, #tpu.memory_space<vmem>>
    %dma_start3A_53 = tpu.memref_squeeze %dma_start3A_52 : memref<1x128xi32, #tpu.memory_space<vmem>> -> memref<128xi32, #tpu.memory_space<vmem>>
    %dma_start3A_54 = arith.constant 0 : i32
    %dma_start3A_55 = arith.constant 0 : i32
    %dma_start3A_56 = tpu.memref_slice %arg3[%dma_start3A_54, %dma_start3A_55] : memref<100000x128xf32, #tpu.memory_space<hbm>> -> memref<100000x128xf32, #tpu.memory_space<hbm>>
    tpu.enqueue_indirect_dma source(%dma_start3A_56 : memref<100000x128xf32, #tpu.memory_space<hbm>>) target(%arg7 : memref<128x128xf32, #tpu.memory_space<vmem>>) offsets(%dma_start3A_53 : memref<128xi32, #tpu.memory_space<vmem>>) semaphore(%arg18 : memref<!tpu.dma_semaphore, #tpu.memory_space<semaphore_mem>>) {add = true}
    %dma_wait3A_57 = arith.constant 0 : i32
    %dma_wait3A_58 = arith.constant 0 : i32
    %dma_wait3A_59 = tpu.memref_slice %arg12[%dma_wait3A_57, %dma_wait3A_58] : memref<400x128xf32, #tpu.memory_space<vmem_shared>> -> memref<128x128xf32, #tpu.memory_space<vmem_shared>>
    %dma_wait3A_60 = arith.constant 0 : i32
    %dma_wait3A_61 = arith.constant 0 : i32
    %dma_wait3A_62 = tpu.memref_slice %arg12[%dma_wait3A_60, %dma_wait3A_61] : memref<400x128xf32, #tpu.memory_space<vmem_shared>> -> memref<128x128xf32, #tpu.memory_space<vmem_shared>>
    tpu.wait_dma2 semaphore(%arg14 : memref<!tpu.dma_semaphore, #tpu.memory_space<semaphore_mem>>) src(%dma_wait3A_62 : memref<128x128xf32, #tpu.memory_space<vmem_shared>>) dst(%arg8 : memref<128x128xf32, #tpu.memory_space<vmem>>)
    %add3A_63 = arith.constant 32 : i32
    %add3A_64 = arith.addi %add3A, %add3A_63 : i32
    %mul3A_65 = arith.constant 128 : i32
    %mul3A_66 = arith.muli %add3A_64, %mul3A_65 : i32
    %run_scoped3A_67 = arith.constant 1 : i32
    "tpu.region"() ({
      %run_scoped3A_250 = tpu.sem_alloc : memref<!tpu.dma_semaphore, #tpu.memory_space<semaphore_mem>>
      %dma_start3A_251 = arith.constant 0 : i32
      %dma_start3A_252 = tpu.memref_slice %arg6[%run_scoped3A_67, %dma_start3A_251] : memref<5x128xi32, #tpu.memory_space<vmem>> -> memref<1x128xi32, #tpu.memory_space<vmem>>
      %dma_start3A_253 = tpu.memref_squeeze %dma_start3A_252 : memref<1x128xi32, #tpu.memory_space<vmem>> -> memref<128xi32, #tpu.memory_space<vmem>>
      %dma_start3A_254 = tpu.memref_slice %arg2[%mul3A_66] : memref<204800xi32, #tpu.memory_space<hbm>> -> memref<128xi32, #tpu.memory_space<hbm>>
      %dma_start3A_255 = arith.constant 0 : i32
      %dma_start3A_256 = tpu.memref_slice %arg6[%run_scoped3A_67, %dma_start3A_255] : memref<5x128xi32, #tpu.memory_space<vmem>> -> memref<1x128xi32, #tpu.memory_space<vmem>>
      %dma_start3A_257 = tpu.memref_squeeze %dma_start3A_256 : memref<1x128xi32, #tpu.memory_space<vmem>> -> memref<128xi32, #tpu.memory_space<vmem>>
      %dma_start3A_258 = tpu.memref_slice %arg2[%mul3A_66] : memref<204800xi32, #tpu.memory_space<hbm>> -> memref<128xi32, #tpu.memory_space<hbm>>
      tpu.enqueue_dma source(%dma_start3A_258 : memref<128xi32, #tpu.memory_space<hbm>>) target(%dma_start3A_257 : memref<128xi32, #tpu.memory_space<vmem>>) target_semaphore(%run_scoped3A_250 : memref<!tpu.dma_semaphore, #tpu.memory_space<semaphore_mem>>)
      %dma_wait3A_259 = arith.constant 0 : i32
      %dma_wait3A_260 = tpu.memref_slice %arg6[%run_scoped3A_67, %dma_wait3A_259] : memref<5x128xi32, #tpu.memory_space<vmem>> -> memref<1x128xi32, #tpu.memory_space<vmem>>
      %dma_wait3A_261 = tpu.memref_squeeze %dma_wait3A_260 : memref<1x128xi32, #tpu.memory_space<vmem>> -> memref<128xi32, #tpu.memory_space<vmem>>
      %dma_wait3A_262 = tpu.memref_slice %arg2[%mul3A_66] : memref<204800xi32, #tpu.memory_space<hbm>> -> memref<128xi32, #tpu.memory_space<hbm>>
      %dma_wait3A_263 = arith.constant 0 : i32
      %dma_wait3A_264 = tpu.memref_slice %arg6[%run_scoped3A_67, %dma_wait3A_263] : memref<5x128xi32, #tpu.memory_space<vmem>> -> memref<1x128xi32, #tpu.memory_space<vmem>>
      %dma_wait3A_265 = tpu.memref_squeeze %dma_wait3A_264 : memref<1x128xi32, #tpu.memory_space<vmem>> -> memref<128xi32, #tpu.memory_space<vmem>>
      %dma_wait3A_266 = tpu.memref_slice %arg2[%mul3A_66] : memref<204800xi32, #tpu.memory_space<hbm>> -> memref<128xi32, #tpu.memory_space<hbm>>
      tpu.wait_dma2 semaphore(%run_scoped3A_250 : memref<!tpu.dma_semaphore, #tpu.memory_space<semaphore_mem>>) src(%dma_wait3A_266 : memref<128xi32, #tpu.memory_space<hbm>>) dst(%dma_wait3A_265 : memref<128xi32, #tpu.memory_space<vmem>>)
      tpu.yield
    }) : () -> ()
    %dma_start3A_68 = arith.constant 1 : i32
    %dma_start3A_69 = arith.constant 0 : i32
    %dma_start3A_70 = tpu.memref_slice %arg6[%dma_start3A_68, %dma_start3A_69] : memref<5x128xi32, #tpu.memory_space<vmem>> -> memref<1x128xi32, #tpu.memory_space<vmem>>
    %dma_start3A_71 = tpu.memref_squeeze %dma_start3A_70 : memref<1x128xi32, #tpu.memory_space<vmem>> -> memref<128xi32, #tpu.memory_space<vmem>>
    %dma_start3A_72 = arith.constant 0 : i32
    %dma_start3A_73 = arith.constant 0 : i32
    %dma_start3A_74 = tpu.memref_slice %arg3[%dma_start3A_72, %dma_start3A_73] : memref<100000x128xf32, #tpu.memory_space<hbm>> -> memref<100000x128xf32, #tpu.memory_space<hbm>>
    tpu.enqueue_indirect_dma source(%dma_start3A_74 : memref<100000x128xf32, #tpu.memory_space<hbm>>) target(%arg8 : memref<128x128xf32, #tpu.memory_space<vmem>>) offsets(%dma_start3A_71 : memref<128xi32, #tpu.memory_space<vmem>>) semaphore(%arg19 : memref<!tpu.dma_semaphore, #tpu.memory_space<semaphore_mem>>) {add = true}
    %dma_wait3A_75 = arith.constant 0 : i32
    %dma_wait3A_76 = arith.constant 0 : i32
    %dma_wait3A_77 = tpu.memref_slice %arg12[%dma_wait3A_75, %dma_wait3A_76] : memref<400x128xf32, #tpu.memory_space<vmem_shared>> -> memref<128x128xf32, #tpu.memory_space<vmem_shared>>
    %dma_wait3A_78 = arith.constant 0 : i32
    %dma_wait3A_79 = arith.constant 0 : i32
    %dma_wait3A_80 = tpu.memref_slice %arg12[%dma_wait3A_78, %dma_wait3A_79] : memref<400x128xf32, #tpu.memory_space<vmem_shared>> -> memref<128x128xf32, #tpu.memory_space<vmem_shared>>
    tpu.wait_dma2 semaphore(%arg15 : memref<!tpu.dma_semaphore, #tpu.memory_space<semaphore_mem>>) src(%dma_wait3A_80 : memref<128x128xf32, #tpu.memory_space<vmem_shared>>) dst(%arg9 : memref<128x128xf32, #tpu.memory_space<vmem>>)
    %add3A_81 = arith.constant 64 : i32
    %add3A_82 = arith.addi %add3A, %add3A_81 : i32
    %mul3A_83 = arith.constant 128 : i32
    %mul3A_84 = arith.muli %add3A_82, %mul3A_83 : i32
    %run_scoped3A_85 = arith.constant 2 : i32
    "tpu.region"() ({
      %run_scoped3A_250 = tpu.sem_alloc : memref<!tpu.dma_semaphore, #tpu.memory_space<semaphore_mem>>
      %dma_start3A_251 = arith.constant 0 : i32
      %dma_start3A_252 = tpu.memref_slice %arg6[%run_scoped3A_85, %dma_start3A_251] : memref<5x128xi32, #tpu.memory_space<vmem>> -> memref<1x128xi32, #tpu.memory_space<vmem>>
      %dma_start3A_253 = tpu.memref_squeeze %dma_start3A_252 : memref<1x128xi32, #tpu.memory_space<vmem>> -> memref<128xi32, #tpu.memory_space<vmem>>
      %dma_start3A_254 = tpu.memref_slice %arg2[%mul3A_84] : memref<204800xi32, #tpu.memory_space<hbm>> -> memref<128xi32, #tpu.memory_space<hbm>>
      %dma_start3A_255 = arith.constant 0 : i32
      %dma_start3A_256 = tpu.memref_slice %arg6[%run_scoped3A_85, %dma_start3A_255] : memref<5x128xi32, #tpu.memory_space<vmem>> -> memref<1x128xi32, #tpu.memory_space<vmem>>
      %dma_start3A_257 = tpu.memref_squeeze %dma_start3A_256 : memref<1x128xi32, #tpu.memory_space<vmem>> -> memref<128xi32, #tpu.memory_space<vmem>>
      %dma_start3A_258 = tpu.memref_slice %arg2[%mul3A_84] : memref<204800xi32, #tpu.memory_space<hbm>> -> memref<128xi32, #tpu.memory_space<hbm>>
      tpu.enqueue_dma source(%dma_start3A_258 : memref<128xi32, #tpu.memory_space<hbm>>) target(%dma_start3A_257 : memref<128xi32, #tpu.memory_space<vmem>>) target_semaphore(%run_scoped3A_250 : memref<!tpu.dma_semaphore, #tpu.memory_space<semaphore_mem>>)
      %dma_wait3A_259 = arith.constant 0 : i32
      %dma_wait3A_260 = tpu.memref_slice %arg6[%run_scoped3A_85, %dma_wait3A_259] : memref<5x128xi32, #tpu.memory_space<vmem>> -> memref<1x128xi32, #tpu.memory_space<vmem>>
      %dma_wait3A_261 = tpu.memref_squeeze %dma_wait3A_260 : memref<1x128xi32, #tpu.memory_space<vmem>> -> memref<128xi32, #tpu.memory_space<vmem>>
      %dma_wait3A_262 = tpu.memref_slice %arg2[%mul3A_84] : memref<204800xi32, #tpu.memory_space<hbm>> -> memref<128xi32, #tpu.memory_space<hbm>>
      %dma_wait3A_263 = arith.constant 0 : i32
      %dma_wait3A_264 = tpu.memref_slice %arg6[%run_scoped3A_85, %dma_wait3A_263] : memref<5x128xi32, #tpu.memory_space<vmem>> -> memref<1x128xi32, #tpu.memory_space<vmem>>
      %dma_wait3A_265 = tpu.memref_squeeze %dma_wait3A_264 : memref<1x128xi32, #tpu.memory_space<vmem>> -> memref<128xi32, #tpu.memory_space<vmem>>
      %dma_wait3A_266 = tpu.memref_slice %arg2[%mul3A_84] : memref<204800xi32, #tpu.memory_space<hbm>> -> memref<128xi32, #tpu.memory_space<hbm>>
      tpu.wait_dma2 semaphore(%run_scoped3A_250 : memref<!tpu.dma_semaphore, #tpu.memory_space<semaphore_mem>>) src(%dma_wait3A_266 : memref<128xi32, #tpu.memory_space<hbm>>) dst(%dma_wait3A_265 : memref<128xi32, #tpu.memory_space<vmem>>)
      tpu.yield
    }) : () -> ()
    %dma_start3A_86 = arith.constant 2 : i32
    %dma_start3A_87 = arith.constant 0 : i32
    %dma_start3A_88 = tpu.memref_slice %arg6[%dma_start3A_86, %dma_start3A_87] : memref<5x128xi32, #tpu.memory_space<vmem>> -> memref<1x128xi32, #tpu.memory_space<vmem>>
    %dma_start3A_89 = tpu.memref_squeeze %dma_start3A_88 : memref<1x128xi32, #tpu.memory_space<vmem>> -> memref<128xi32, #tpu.memory_space<vmem>>
    %dma_start3A_90 = arith.constant 0 : i32
    %dma_start3A_91 = arith.constant 0 : i32
    %dma_start3A_92 = tpu.memref_slice %arg3[%dma_start3A_90, %dma_start3A_91] : memref<100000x128xf32, #tpu.memory_space<hbm>> -> memref<100000x128xf32, #tpu.memory_space<hbm>>
    tpu.enqueue_indirect_dma source(%dma_start3A_92 : memref<100000x128xf32, #tpu.memory_space<hbm>>) target(%arg9 : memref<128x128xf32, #tpu.memory_space<vmem>>) offsets(%dma_start3A_89 : memref<128xi32, #tpu.memory_space<vmem>>) semaphore(%arg20 : memref<!tpu.dma_semaphore, #tpu.memory_space<semaphore_mem>>) {add = true}
    %dma_wait3A_93 = arith.constant 0 : i32
    %dma_wait3A_94 = arith.constant 0 : i32
    %dma_wait3A_95 = tpu.memref_slice %arg6[%dma_wait3A_93, %dma_wait3A_94] : memref<5x128xi32, #tpu.memory_space<vmem>> -> memref<1x128xi32, #tpu.memory_space<vmem>>
    %dma_wait3A_96 = tpu.memref_squeeze %dma_wait3A_95 : memref<1x128xi32, #tpu.memory_space<vmem>> -> memref<128xi32, #tpu.memory_space<vmem>>
    %dma_wait3A_97 = arith.constant 0 : i32
    %dma_wait3A_98 = arith.constant 0 : i32
    %dma_wait3A_99 = tpu.memref_slice %arg3[%dma_wait3A_97, %dma_wait3A_98] : memref<100000x128xf32, #tpu.memory_space<hbm>> -> memref<100000x128xf32, #tpu.memory_space<hbm>>
    tpu.wait_indirect_dma semaphore(%arg18 : memref<!tpu.dma_semaphore, #tpu.memory_space<semaphore_mem>>) src(%dma_wait3A_99 : memref<100000x128xf32, #tpu.memory_space<hbm>>) dst(%arg7 : memref<128x128xf32, #tpu.memory_space<vmem>>)
    %add3A_100 = arith.constant 0 : i32
    %add3A_101 = arith.addi %add3A, %add3A_100 : i32
    %mul3A_102 = arith.constant 128 : i32
    %mul3A_103 = arith.muli %add3A_101, %mul3A_102 : i32
    %dma_start3A_104 = arith.constant 0 : i32
    %dma_start3A_105 = tpu.memref_slice %arg5[%mul3A_103, %dma_start3A_104] : memref<204800x128xf32, #tpu.memory_space<hbm>> -> memref<128x128xf32, #tpu.memory_space<hbm>>
    %dma_start3A_106 = arith.constant 0 : i32
    %dma_start3A_107 = tpu.memref_slice %arg5[%mul3A_103, %dma_start3A_106] : memref<204800x128xf32, #tpu.memory_space<hbm>> -> memref<128x128xf32, #tpu.memory_space<hbm>>
    tpu.enqueue_dma source(%arg7 : memref<128x128xf32, #tpu.memory_space<vmem>>) target(%dma_start3A_107 : memref<128x128xf32, #tpu.memory_space<hbm>>) target_semaphore(%arg23 : memref<!tpu.dma_semaphore, #tpu.memory_space<semaphore_mem>>)
    %add3A_108 = arith.constant 128 : i32
    %add3A_109 = arith.addi %add3A, %add3A_108 : i32
    %mul3A_110 = arith.constant 128 : i32
    %mul3A_111 = arith.muli %add3A_109, %mul3A_110 : i32
    %rem3A_112 = arith.constant 200 : i32
    %rem3A_113 = arith.remsi %mul3A_111, %rem3A_112 : i32
    %dma_start3A_114 = arith.constant 0 : i32
    %dma_start3A_115 = tpu.memref_slice %arg12[%rem3A_113, %dma_start3A_114] : memref<400x128xf32, #tpu.memory_space<vmem_shared>> -> memref<128x128xf32, #tpu.memory_space<vmem_shared>>
    %dma_start3A_116 = arith.constant 0 : i32
    %dma_start3A_117 = tpu.memref_slice %arg12[%rem3A_113, %dma_start3A_116] : memref<400x128xf32, #tpu.memory_space<vmem_shared>> -> memref<128x128xf32, #tpu.memory_space<vmem_shared>>
    tpu.enqueue_dma source(%dma_start3A_117 : memref<128x128xf32, #tpu.memory_space<vmem_shared>>) target(%arg11 : memref<128x128xf32, #tpu.memory_space<vmem>>) target_semaphore(%arg17 : memref<!tpu.dma_semaphore, #tpu.memory_space<semaphore_mem>>)
    %dma_wait3A_118 = arith.constant 0 : i32
    %dma_wait3A_119 = arith.constant 0 : i32
    %dma_wait3A_120 = tpu.memref_slice %arg12[%dma_wait3A_118, %dma_wait3A_119] : memref<400x128xf32, #tpu.memory_space<vmem_shared>> -> memref<128x128xf32, #tpu.memory_space<vmem_shared>>
    %dma_wait3A_121 = arith.constant 0 : i32
    %dma_wait3A_122 = arith.constant 0 : i32
    %dma_wait3A_123 = tpu.memref_slice %arg12[%dma_wait3A_121, %dma_wait3A_122] : memref<400x128xf32, #tpu.memory_space<vmem_shared>> -> memref<128x128xf32, #tpu.memory_space<vmem_shared>>
    tpu.wait_dma2 semaphore(%arg16 : memref<!tpu.dma_semaphore, #tpu.memory_space<semaphore_mem>>) src(%dma_wait3A_123 : memref<128x128xf32, #tpu.memory_space<vmem_shared>>) dst(%arg10 : memref<128x128xf32, #tpu.memory_space<vmem>>)
    %add3A_124 = arith.constant 96 : i32
    %add3A_125 = arith.addi %add3A, %add3A_124 : i32
    %mul3A_126 = arith.constant 128 : i32
    %mul3A_127 = arith.muli %add3A_125, %mul3A_126 : i32
    %run_scoped3A_128 = arith.constant 3 : i32
    "tpu.region"() ({
      %run_scoped3A_250 = tpu.sem_alloc : memref<!tpu.dma_semaphore, #tpu.memory_space<semaphore_mem>>
      %dma_start3A_251 = arith.constant 0 : i32
      %dma_start3A_252 = tpu.memref_slice %arg6[%run_scoped3A_128, %dma_start3A_251] : memref<5x128xi32, #tpu.memory_space<vmem>> -> memref<1x128xi32, #tpu.memory_space<vmem>>
      %dma_start3A_253 = tpu.memref_squeeze %dma_start3A_252 : memref<1x128xi32, #tpu.memory_space<vmem>> -> memref<128xi32, #tpu.memory_space<vmem>>
      %dma_start3A_254 = tpu.memref_slice %arg2[%mul3A_127] : memref<204800xi32, #tpu.memory_space<hbm>> -> memref<128xi32, #tpu.memory_space<hbm>>
      %dma_start3A_255 = arith.constant 0 : i32
      %dma_start3A_256 = tpu.memref_slice %arg6[%run_scoped3A_128, %dma_start3A_255] : memref<5x128xi32, #tpu.memory_space<vmem>> -> memref<1x128xi32, #tpu.memory_space<vmem>>
      %dma_start3A_257 = tpu.memref_squeeze %dma_start3A_256 : memref<1x128xi32, #tpu.memory_space<vmem>> -> memref<128xi32, #tpu.memory_space<vmem>>
      %dma_start3A_258 = tpu.memref_slice %arg2[%mul3A_127] : memref<204800xi32, #tpu.memory_space<hbm>> -> memref<128xi32, #tpu.memory_space<hbm>>
      tpu.enqueue_dma source(%dma_start3A_258 : memref<128xi32, #tpu.memory_space<hbm>>) target(%dma_start3A_257 : memref<128xi32, #tpu.memory_space<vmem>>) target_semaphore(%run_scoped3A_250 : memref<!tpu.dma_semaphore, #tpu.memory_space<semaphore_mem>>)
      %dma_wait3A_259 = arith.constant 0 : i32
      %dma_wait3A_260 = tpu.memref_slice %arg6[%run_scoped3A_128, %dma_wait3A_259] : memref<5x128xi32, #tpu.memory_space<vmem>> -> memref<1x128xi32, #tpu.memory_space<vmem>>
      %dma_wait3A_261 = tpu.memref_squeeze %dma_wait3A_260 : memref<1x128xi32, #tpu.memory_space<vmem>> -> memref<128xi32, #tpu.memory_space<vmem>>
      %dma_wait3A_262 = tpu.memref_slice %arg2[%mul3A_127] : memref<204800xi32, #tpu.memory_space<hbm>> -> memref<128xi32, #tpu.memory_space<hbm>>
      %dma_wait3A_263 = arith.constant 0 : i32
      %dma_wait3A_264 = tpu.memref_slice %arg6[%run_scoped3A_128, %dma_wait3A_263] : memref<5x128xi32, #tpu.memory_space<vmem>> -> memref<1x128xi32, #tpu.memory_space<vmem>>
      %dma_wait3A_265 = tpu.memref_squeeze %dma_wait3A_264 : memref<1x128xi32, #tpu.memory_space<vmem>> -> memref<128xi32, #tpu.memory_space<vmem>>
      %dma_wait3A_266 = tpu.memref_slice %arg2[%mul3A_127] : memref<204800xi32, #tpu.memory_space<hbm>> -> memref<128xi32, #tpu.memory_space<hbm>>
      tpu.wait_dma2 semaphore(%run_scoped3A_250 : memref<!tpu.dma_semaphore, #tpu.memory_space<semaphore_mem>>) src(%dma_wait3A_266 : memref<128xi32, #tpu.memory_space<hbm>>) dst(%dma_wait3A_265 : memref<128xi32, #tpu.memory_space<vmem>>)
      tpu.yield
    }) : () -> ()
    %dma_start3A_129 = arith.constant 3 : i32
    %dma_start3A_130 = arith.constant 0 : i32
    %dma_start3A_131 = tpu.memref_slice %arg6[%dma_start3A_129, %dma_start3A_130] : memref<5x128xi32, #tpu.memory_space<vmem>> -> memref<1x128xi32, #tpu.memory_space<vmem>>
    %dma_start3A_132 = tpu.memref_squeeze %dma_start3A_131 : memref<1x128xi32, #tpu.memory_space<vmem>> -> memref<128xi32, #tpu.memory_space<vmem>>
    %dma_start3A_133 = arith.constant 0 : i32
    %dma_start3A_134 = arith.constant 0 : i32
    %dma_start3A_135 = tpu.memref_slice %arg3[%dma_start3A_133, %dma_start3A_134] : memref<100000x128xf32, #tpu.memory_space<hbm>> -> memref<100000x128xf32, #tpu.memory_space<hbm>>
    tpu.enqueue_indirect_dma source(%dma_start3A_135 : memref<100000x128xf32, #tpu.memory_space<hbm>>) target(%arg10 : memref<128x128xf32, #tpu.memory_space<vmem>>) offsets(%dma_start3A_132 : memref<128xi32, #tpu.memory_space<vmem>>) semaphore(%arg21 : memref<!tpu.dma_semaphore, #tpu.memory_space<semaphore_mem>>) {add = true}
    %scan3A = arith.constant 0 : i32
    %scan3A_136 = arith.constant 0 : i32
    %scan3A_137 = arith.constant 9 : i32
    %scan3A_138 = arith.addi %scan3A_136, %scan3A_137 : i32
    %scan3A_139 = arith.constant 1 : i32
    %scan3A_140 = scf.for %scan3A_250 = %scan3A_136 to %scan3A_138 step %scan3A_139 iter_args(%scan3A_251 = %scan3A) -> (i32)  : i32 {
      %mul3A_252 = arith.constant 5 : i32
      %mul3A_253 = arith.muli %scan3A_250, %mul3A_252 : i32
      %add3A_254 = arith.constant 1 : i32
      %add3A_255 = arith.addi %add3A_254, %mul3A_253 : i32
      %add3A_256 = arith.constant 0 : i32
      %add3A_257 = arith.addi %add3A_255, %add3A_256 : i32
      %dma_wait3A_258 = arith.constant 1 : i32
      %dma_wait3A_259 = arith.constant 0 : i32
      %dma_wait3A_260 = tpu.memref_slice %arg6[%dma_wait3A_258, %dma_wait3A_259] : memref<5x128xi32, #tpu.memory_space<vmem>> -> memref<1x128xi32, #tpu.memory_space<vmem>>
      %dma_wait3A_261 = tpu.memref_squeeze %dma_wait3A_260 : memref<1x128xi32, #tpu.memory_space<vmem>> -> memref<128xi32, #tpu.memory_space<vmem>>
      %dma_wait3A_262 = arith.constant 0 : i32
      %dma_wait3A_263 = arith.constant 0 : i32
      %dma_wait3A_264 = tpu.memref_slice %arg3[%dma_wait3A_262, %dma_wait3A_263] : memref<100000x128xf32, #tpu.memory_space<hbm>> -> memref<100000x128xf32, #tpu.memory_space<hbm>>
      tpu.wait_indirect_dma semaphore(%arg19 : memref<!tpu.dma_semaphore, #tpu.memory_space<semaphore_mem>>) src(%dma_wait3A_264 : memref<100000x128xf32, #tpu.memory_space<hbm>>) dst(%arg8 : memref<128x128xf32, #tpu.memory_space<vmem>>)
      %mul3A_265 = arith.constant 32 : i32
      %mul3A_266 = arith.muli %mul3A_265, %add3A_257 : i32
      %add3A_267 = arith.addi %add3A, %mul3A_266 : i32
      %mul3A_268 = arith.constant 128 : i32
      %mul3A_269 = arith.muli %add3A_267, %mul3A_268 : i32
      %dma_start3A_270 = arith.constant 0 : i32
      %dma_start3A_271 = tpu.memref_slice %arg5[%mul3A_269, %dma_start3A_270] : memref<204800x128xf32, #tpu.memory_space<hbm>> -> memref<128x128xf32, #tpu.memory_space<hbm>>
      %dma_start3A_272 = arith.constant 0 : i32
      %dma_start3A_273 = tpu.memref_slice %arg5[%mul3A_269, %dma_start3A_272] : memref<204800x128xf32, #tpu.memory_space<hbm>> -> memref<128x128xf32, #tpu.memory_space<hbm>>
      tpu.enqueue_dma source(%arg8 : memref<128x128xf32, #tpu.memory_space<vmem>>) target(%dma_start3A_273 : memref<128x128xf32, #tpu.memory_space<hbm>>) target_semaphore(%arg24 : memref<!tpu.dma_semaphore, #tpu.memory_space<semaphore_mem>>)
      %dma_wait3A_274 = arith.constant 0 : i32
      %dma_wait3A_275 = arith.constant 0 : i32
      %dma_wait3A_276 = tpu.memref_slice %arg5[%dma_wait3A_274, %dma_wait3A_275] : memref<204800x128xf32, #tpu.memory_space<hbm>> -> memref<128x128xf32, #tpu.memory_space<hbm>>
      %dma_wait3A_277 = arith.constant 0 : i32
      %dma_wait3A_278 = arith.constant 0 : i32
      %dma_wait3A_279 = tpu.memref_slice %arg5[%dma_wait3A_277, %dma_wait3A_278] : memref<204800x128xf32, #tpu.memory_space<hbm>> -> memref<128x128xf32, #tpu.memory_space<hbm>>
      tpu.wait_dma2 semaphore(%arg23 : memref<!tpu.dma_semaphore, #tpu.memory_space<semaphore_mem>>) src(%arg7 : memref<128x128xf32, #tpu.memory_space<vmem>>) dst(%dma_wait3A_279 : memref<128x128xf32, #tpu.memory_space<hbm>>)
      %add3A_280 = arith.constant 5 : i32
      %add3A_281 = arith.addi %add3A_257, %add3A_280 : i32
      %sub3A = arith.constant 1 : i32
      %sub3A_282 = arith.subi %add3A_281, %sub3A : i32
      %mul3A_283 = arith.constant 32 : i32
      %mul3A_284 = arith.muli %mul3A_283, %sub3A_282 : i32
      %add3A_285 = arith.addi %add3A, %mul3A_284 : i32
      %mul3A_286 = arith.constant 128 : i32
      %mul3A_287 = arith.muli %add3A_285, %mul3A_286 : i32
      %rem3A_288 = arith.constant 200 : i32
      %rem3A_289 = arith.remsi %mul3A_287, %rem3A_288 : i32
      %dma_start3A_290 = arith.constant 0 : i32
      %dma_start3A_291 = tpu.memref_slice %arg12[%rem3A_289, %dma_start3A_290] : memref<400x128xf32, #tpu.memory_space<vmem_shared>> -> memref<128x128xf32, #tpu.memory_space<vmem_shared>>
      %dma_start3A_292 = arith.constant 0 : i32
      %dma_start3A_293 = tpu.memref_slice %arg12[%rem3A_289, %dma_start3A_292] : memref<400x128xf32, #tpu.memory_space<vmem_shared>> -> memref<128x128xf32, #tpu.memory_space<vmem_shared>>
      tpu.enqueue_dma source(%dma_start3A_293 : memref<128x128xf32, #tpu.memory_space<vmem_shared>>) target(%arg7 : memref<128x128xf32, #tpu.memory_space<vmem>>) target_semaphore(%arg13 : memref<!tpu.dma_semaphore, #tpu.memory_space<semaphore_mem>>)
      %dma_wait3A_294 = arith.constant 0 : i32
      %dma_wait3A_295 = arith.constant 0 : i32
      %dma_wait3A_296 = tpu.memref_slice %arg12[%dma_wait3A_294, %dma_wait3A_295] : memref<400x128xf32, #tpu.memory_space<vmem_shared>> -> memref<128x128xf32, #tpu.memory_space<vmem_shared>>
      %dma_wait3A_297 = arith.constant 0 : i32
      %dma_wait3A_298 = arith.constant 0 : i32
      %dma_wait3A_299 = tpu.memref_slice %arg12[%dma_wait3A_297, %dma_wait3A_298] : memref<400x128xf32, #tpu.memory_space<vmem_shared>> -> memref<128x128xf32, #tpu.memory_space<vmem_shared>>
      tpu.wait_dma2 semaphore(%arg17 : memref<!tpu.dma_semaphore, #tpu.memory_space<semaphore_mem>>) src(%dma_wait3A_299 : memref<128x128xf32, #tpu.memory_space<vmem_shared>>) dst(%arg11 : memref<128x128xf32, #tpu.memory_space<vmem>>)
      %add3A_300 = arith.constant 5 : i32
      %add3A_301 = arith.addi %add3A_257, %add3A_300 : i32
      %sub3A_302 = arith.constant 2 : i32
      %sub3A_303 = arith.subi %add3A_301, %sub3A_302 : i32
      %mul3A_304 = arith.constant 32 : i32
      %mul3A_305 = arith.muli %mul3A_304, %sub3A_303 : i32
      %add3A_306 = arith.addi %add3A, %mul3A_305 : i32
      %mul3A_307 = arith.constant 128 : i32
      %mul3A_308 = arith.muli %add3A_306, %mul3A_307 : i32
      %run_scoped3A_309 = arith.constant 4 : i32
      "tpu.region"() ({
        %run_scoped3A_566 = tpu.sem_alloc : memref<!tpu.dma_semaphore, #tpu.memory_space<semaphore_mem>>
        %dma_start3A_567 = arith.constant 0 : i32
        %dma_start3A_568 = tpu.memref_slice %arg6[%run_scoped3A_309, %dma_start3A_567] : memref<5x128xi32, #tpu.memory_space<vmem>> -> memref<1x128xi32, #tpu.memory_space<vmem>>
        %dma_start3A_569 = tpu.memref_squeeze %dma_start3A_568 : memref<1x128xi32, #tpu.memory_space<vmem>> -> memref<128xi32, #tpu.memory_space<vmem>>
        %dma_start3A_570 = tpu.memref_slice %arg2[%mul3A_308] : memref<204800xi32, #tpu.memory_space<hbm>> -> memref<128xi32, #tpu.memory_space<hbm>>
        %dma_start3A_571 = arith.constant 0 : i32
        %dma_start3A_572 = tpu.memref_slice %arg6[%run_scoped3A_309, %dma_start3A_571] : memref<5x128xi32, #tpu.memory_space<vmem>> -> memref<1x128xi32, #tpu.memory_space<vmem>>
        %dma_start3A_573 = tpu.memref_squeeze %dma_start3A_572 : memref<1x128xi32, #tpu.memory_space<vmem>> -> memref<128xi32, #tpu.memory_space<vmem>>
        %dma_start3A_574 = tpu.memref_slice %arg2[%mul3A_308] : memref<204800xi32, #tpu.memory_space<hbm>> -> memref<128xi32, #tpu.memory_space<hbm>>
        tpu.enqueue_dma source(%dma_start3A_574 : memref<128xi32, #tpu.memory_space<hbm>>) target(%dma_start3A_573 : memref<128xi32, #tpu.memory_space<vmem>>) target_semaphore(%run_scoped3A_566 : memref<!tpu.dma_semaphore, #tpu.memory_space<semaphore_mem>>)
        %dma_wait3A_575 = arith.constant 0 : i32
        %dma_wait3A_576 = tpu.memref_slice %arg6[%run_scoped3A_309, %dma_wait3A_575] : memref<5x128xi32, #tpu.memory_space<vmem>> -> memref<1x128xi32, #tpu.memory_space<vmem>>
        %dma_wait3A_577 = tpu.memref_squeeze %dma_wait3A_576 : memref<1x128xi32, #tpu.memory_space<vmem>> -> memref<128xi32, #tpu.memory_space<vmem>>
        %dma_wait3A_578 = tpu.memref_slice %arg2[%mul3A_308] : memref<204800xi32, #tpu.memory_space<hbm>> -> memref<128xi32, #tpu.memory_space<hbm>>
        %dma_wait3A_579 = arith.constant 0 : i32
        %dma_wait3A_580 = tpu.memref_slice %arg6[%run_scoped3A_309, %dma_wait3A_579] : memref<5x128xi32, #tpu.memory_space<vmem>> -> memref<1x128xi32, #tpu.memory_space<vmem>>
        %dma_wait3A_581 = tpu.memref_squeeze %dma_wait3A_580 : memref<1x128xi32, #tpu.memory_space<vmem>> -> memref<128xi32, #tpu.memory_space<vmem>>
        %dma_wait3A_582 = tpu.memref_slice %arg2[%mul3A_308] : memref<204800xi32, #tpu.memory_space<hbm>> -> memref<128xi32, #tpu.memory_space<hbm>>
        tpu.wait_dma2 semaphore(%run_scoped3A_566 : memref<!tpu.dma_semaphore, #tpu.memory_space<semaphore_mem>>) src(%dma_wait3A_582 : memref<128xi32, #tpu.memory_space<hbm>>) dst(%dma_wait3A_581 : memref<128xi32, #tpu.memory_space<vmem>>)
        tpu.yield
      }) : () -> ()
      %dma_start3A_310 = arith.constant 4 : i32
      %dma_start3A_311 = arith.constant 0 : i32
      %dma_start3A_312 = tpu.memref_slice %arg6[%dma_start3A_310, %dma_start3A_311] : memref<5x128xi32, #tpu.memory_space<vmem>> -> memref<1x128xi32, #tpu.memory_space<vmem>>
      %dma_start3A_313 = tpu.memref_squeeze %dma_start3A_312 : memref<1x128xi32, #tpu.memory_space<vmem>> -> memref<128xi32, #tpu.memory_space<vmem>>
      %dma_start3A_314 = arith.constant 0 : i32
      %dma_start3A_315 = arith.constant 0 : i32
      %dma_start3A_316 = tpu.memref_slice %arg3[%dma_start3A_314, %dma_start3A_315] : memref<100000x128xf32, #tpu.memory_space<hbm>> -> memref<100000x128xf32, #tpu.memory_space<hbm>>
      tpu.enqueue_indirect_dma source(%dma_start3A_316 : memref<100000x128xf32, #tpu.memory_space<hbm>>) target(%arg11 : memref<128x128xf32, #tpu.memory_space<vmem>>) offsets(%dma_start3A_313 : memref<128xi32, #tpu.memory_space<vmem>>) semaphore(%arg22 : memref<!tpu.dma_semaphore, #tpu.memory_space<semaphore_mem>>) {add = true}
      %add3A_317 = arith.constant 1 : i32
      %add3A_318 = arith.addi %add3A_255, %add3A_317 : i32
      %dma_wait3A_319 = arith.constant 2 : i32
      %dma_wait3A_320 = arith.constant 0 : i32
      %dma_wait3A_321 = tpu.memref_slice %arg6[%dma_wait3A_319, %dma_wait3A_320] : memref<5x128xi32, #tpu.memory_space<vmem>> -> memref<1x128xi32, #tpu.memory_space<vmem>>
      %dma_wait3A_322 = tpu.memref_squeeze %dma_wait3A_321 : memref<1x128xi32, #tpu.memory_space<vmem>> -> memref<128xi32, #tpu.memory_space<vmem>>
      %dma_wait3A_323 = arith.constant 0 : i32
      %dma_wait3A_324 = arith.constant 0 : i32
      %dma_wait3A_325 = tpu.memref_slice %arg3[%dma_wait3A_323, %dma_wait3A_324] : memref<100000x128xf32, #tpu.memory_space<hbm>> -> memref<100000x128xf32, #tpu.memory_space<hbm>>
      tpu.wait_indirect_dma semaphore(%arg20 : memref<!tpu.dma_semaphore, #tpu.memory_space<semaphore_mem>>) src(%dma_wait3A_325 : memref<100000x128xf32, #tpu.memory_space<hbm>>) dst(%arg9 : memref<128x128xf32, #tpu.memory_space<vmem>>)
      %mul3A_326 = arith.constant 32 : i32
      %mul3A_327 = arith.muli %mul3A_326, %add3A_318 : i32
      %add3A_328 = arith.addi %add3A, %mul3A_327 : i32
      %mul3A_329 = arith.constant 128 : i32
      %mul3A_330 = arith.muli %add3A_328, %mul3A_329 : i32
      %dma_start3A_331 = arith.constant 0 : i32
      %dma_start3A_332 = tpu.memref_slice %arg5[%mul3A_330, %dma_start3A_331] : memref<204800x128xf32, #tpu.memory_space<hbm>> -> memref<128x128xf32, #tpu.memory_space<hbm>>
      %dma_start3A_333 = arith.constant 0 : i32
      %dma_start3A_334 = tpu.memref_slice %arg5[%mul3A_330, %dma_start3A_333] : memref<204800x128xf32, #tpu.memory_space<hbm>> -> memref<128x128xf32, #tpu.memory_space<hbm>>
      tpu.enqueue_dma source(%arg9 : memref<128x128xf32, #tpu.memory_space<vmem>>) target(%dma_start3A_334 : memref<128x128xf32, #tpu.memory_space<hbm>>) target_semaphore(%arg25 : memref<!tpu.dma_semaphore, #tpu.memory_space<semaphore_mem>>)
      %dma_wait3A_335 = arith.constant 0 : i32
      %dma_wait3A_336 = arith.constant 0 : i32
      %dma_wait3A_337 = tpu.memref_slice %arg5[%dma_wait3A_335, %dma_wait3A_336] : memref<204800x128xf32, #tpu.memory_space<hbm>> -> memref<128x128xf32, #tpu.memory_space<hbm>>
      %dma_wait3A_338 = arith.constant 0 : i32
      %dma_wait3A_339 = arith.constant 0 : i32
      %dma_wait3A_340 = tpu.memref_slice %arg5[%dma_wait3A_338, %dma_wait3A_339] : memref<204800x128xf32, #tpu.memory_space<hbm>> -> memref<128x128xf32, #tpu.memory_space<hbm>>
      tpu.wait_dma2 semaphore(%arg24 : memref<!tpu.dma_semaphore, #tpu.memory_space<semaphore_mem>>) src(%arg8 : memref<128x128xf32, #tpu.memory_space<vmem>>) dst(%dma_wait3A_340 : memref<128x128xf32, #tpu.memory_space<hbm>>)
      %add3A_341 = arith.constant 5 : i32
      %add3A_342 = arith.addi %add3A_318, %add3A_341 : i32
      %sub3A_343 = arith.constant 1 : i32
      %sub3A_344 = arith.subi %add3A_342, %sub3A_343 : i32
      %mul3A_345 = arith.constant 32 : i32
      %mul3A_346 = arith.muli %mul3A_345, %sub3A_344 : i32
      %add3A_347 = arith.addi %add3A, %mul3A_346 : i32
      %mul3A_348 = arith.constant 128 : i32
      %mul3A_349 = arith.muli %add3A_347, %mul3A_348 : i32
      %rem3A_350 = arith.constant 200 : i32
      %rem3A_351 = arith.remsi %mul3A_349, %rem3A_350 : i32
      %dma_start3A_352 = arith.constant 0 : i32
      %dma_start3A_353 = tpu.memref_slice %arg12[%rem3A_351, %dma_start3A_352] : memref<400x128xf32, #tpu.memory_space<vmem_shared>> -> memref<128x128xf32, #tpu.memory_space<vmem_shared>>
      %dma_start3A_354 = arith.constant 0 : i32
      %dma_start3A_355 = tpu.memref_slice %arg12[%rem3A_351, %dma_start3A_354] : memref<400x128xf32, #tpu.memory_space<vmem_shared>> -> memref<128x128xf32, #tpu.memory_space<vmem_shared>>
      tpu.enqueue_dma source(%dma_start3A_355 : memref<128x128xf32, #tpu.memory_space<vmem_shared>>) target(%arg8 : memref<128x128xf32, #tpu.memory_space<vmem>>) target_semaphore(%arg14 : memref<!tpu.dma_semaphore, #tpu.memory_space<semaphore_mem>>)
      %dma_wait3A_356 = arith.constant 0 : i32
      %dma_wait3A_357 = arith.constant 0 : i32
      %dma_wait3A_358 = tpu.memref_slice %arg12[%dma_wait3A_356, %dma_wait3A_357] : memref<400x128xf32, #tpu.memory_space<vmem_shared>> -> memref<128x128xf32, #tpu.memory_space<vmem_shared>>
      %dma_wait3A_359 = arith.constant 0 : i32
      %dma_wait3A_360 = arith.constant 0 : i32
      %dma_wait3A_361 = tpu.memref_slice %arg12[%dma_wait3A_359, %dma_wait3A_360] : memref<400x128xf32, #tpu.memory_space<vmem_shared>> -> memref<128x128xf32, #tpu.memory_space<vmem_shared>>
      tpu.wait_dma2 semaphore(%arg13 : memref<!tpu.dma_semaphore, #tpu.memory_space<semaphore_mem>>) src(%dma_wait3A_361 : memref<128x128xf32, #tpu.memory_space<vmem_shared>>) dst(%arg7 : memref<128x128xf32, #tpu.memory_space<vmem>>)
      %add3A_362 = arith.constant 5 : i32
      %add3A_363 = arith.addi %add3A_318, %add3A_362 : i32
      %sub3A_364 = arith.constant 2 : i32
      %sub3A_365 = arith.subi %add3A_363, %sub3A_364 : i32
      %mul3A_366 = arith.constant 32 : i32
      %mul3A_367 = arith.muli %mul3A_366, %sub3A_365 : i32
      %add3A_368 = arith.addi %add3A, %mul3A_367 : i32
      %mul3A_369 = arith.constant 128 : i32
      %mul3A_370 = arith.muli %add3A_368, %mul3A_369 : i32
      %run_scoped3A_371 = arith.constant 0 : i32
      "tpu.region"() ({
        %run_scoped3A_566 = tpu.sem_alloc : memref<!tpu.dma_semaphore, #tpu.memory_space<semaphore_mem>>
        %dma_start3A_567 = arith.constant 0 : i32
        %dma_start3A_568 = tpu.memref_slice %arg6[%run_scoped3A_371, %dma_start3A_567] : memref<5x128xi32, #tpu.memory_space<vmem>> -> memref<1x128xi32, #tpu.memory_space<vmem>>
        %dma_start3A_569 = tpu.memref_squeeze %dma_start3A_568 : memref<1x128xi32, #tpu.memory_space<vmem>> -> memref<128xi32, #tpu.memory_space<vmem>>
        %dma_start3A_570 = tpu.memref_slice %arg2[%mul3A_370] : memref<204800xi32, #tpu.memory_space<hbm>> -> memref<128xi32, #tpu.memory_space<hbm>>
        %dma_start3A_571 = arith.constant 0 : i32
        %dma_start3A_572 = tpu.memref_slice %arg6[%run_scoped3A_371, %dma_start3A_571] : memref<5x128xi32, #tpu.memory_space<vmem>> -> memref<1x128xi32, #tpu.memory_space<vmem>>
        %dma_start3A_573 = tpu.memref_squeeze %dma_start3A_572 : memref<1x128xi32, #tpu.memory_space<vmem>> -> memref<128xi32, #tpu.memory_space<vmem>>
        %dma_start3A_574 = tpu.memref_slice %arg2[%mul3A_370] : memref<204800xi32, #tpu.memory_space<hbm>> -> memref<128xi32, #tpu.memory_space<hbm>>
        tpu.enqueue_dma source(%dma_start3A_574 : memref<128xi32, #tpu.memory_space<hbm>>) target(%dma_start3A_573 : memref<128xi32, #tpu.memory_space<vmem>>) target_semaphore(%run_scoped3A_566 : memref<!tpu.dma_semaphore, #tpu.memory_space<semaphore_mem>>)
        %dma_wait3A_575 = arith.constant 0 : i32
        %dma_wait3A_576 = tpu.memref_slice %arg6[%run_scoped3A_371, %dma_wait3A_575] : memref<5x128xi32, #tpu.memory_space<vmem>> -> memref<1x128xi32, #tpu.memory_space<vmem>>
        %dma_wait3A_577 = tpu.memref_squeeze %dma_wait3A_576 : memref<1x128xi32, #tpu.memory_space<vmem>> -> memref<128xi32, #tpu.memory_space<vmem>>
        %dma_wait3A_578 = tpu.memref_slice %arg2[%mul3A_370] : memref<204800xi32, #tpu.memory_space<hbm>> -> memref<128xi32, #tpu.memory_space<hbm>>
        %dma_wait3A_579 = arith.constant 0 : i32
        %dma_wait3A_580 = tpu.memref_slice %arg6[%run_scoped3A_371, %dma_wait3A_579] : memref<5x128xi32, #tpu.memory_space<vmem>> -> memref<1x128xi32, #tpu.memory_space<vmem>>
        %dma_wait3A_581 = tpu.memref_squeeze %dma_wait3A_580 : memref<1x128xi32, #tpu.memory_space<vmem>> -> memref<128xi32, #tpu.memory_space<vmem>>
        %dma_wait3A_582 = tpu.memref_slice %arg2[%mul3A_370] : memref<204800xi32, #tpu.memory_space<hbm>> -> memref<128xi32, #tpu.memory_space<hbm>>
        tpu.wait_dma2 semaphore(%run_scoped3A_566 : memref<!tpu.dma_semaphore, #tpu.memory_space<semaphore_mem>>) src(%dma_wait3A_582 : memref<128xi32, #tpu.memory_space<hbm>>) dst(%dma_wait3A_581 : memref<128xi32, #tpu.memory_space<vmem>>)
        tpu.yield
      }) : () -> ()
      %dma_start3A_372 = arith.constant 0 : i32
      %dma_start3A_373 = arith.constant 0 : i32
      %dma_start3A_374 = tpu.memref_slice %arg6[%dma_start3A_372, %dma_start3A_373] : memref<5x128xi32, #tpu.memory_space<vmem>> -> memref<1x128xi32, #tpu.memory_space<vmem>>
      %dma_start3A_375 = tpu.memref_squeeze %dma_start3A_374 : memref<1x128xi32, #tpu.memory_space<vmem>> -> memref<128xi32, #tpu.memory_space<vmem>>
      %dma_start3A_376 = arith.constant 0 : i32
      %dma_start3A_377 = arith.constant 0 : i32
      %dma_start3A_378 = tpu.memref_slice %arg3[%dma_start3A_376, %dma_start3A_377] : memref<100000x128xf32, #tpu.memory_space<hbm>> -> memref<100000x128xf32, #tpu.memory_space<hbm>>
      tpu.enqueue_indirect_dma source(%dma_start3A_378 : memref<100000x128xf32, #tpu.memory_space<hbm>>) target(%arg7 : memref<128x128xf32, #tpu.memory_space<vmem>>) offsets(%dma_start3A_375 : memref<128xi32, #tpu.memory_space<vmem>>) semaphore(%arg18 : memref<!tpu.dma_semaphore, #tpu.memory_space<semaphore_mem>>) {add = true}
      %add3A_379 = arith.constant 2 : i32
      %add3A_380 = arith.addi %add3A_255, %add3A_379 : i32
      %dma_wait3A_381 = arith.constant 3 : i32
      %dma_wait3A_382 = arith.constant 0 : i32
      %dma_wait3A_383 = tpu.memref_slice %arg6[%dma_wait3A_381, %dma_wait3A_382] : memref<5x128xi32, #tpu.memory_space<vmem>> -> memref<1x128xi32, #tpu.memory_space<vmem>>
      %dma_wait3A_384 = tpu.memref_squeeze %dma_wait3A_383 : memref<1x128xi32, #tpu.memory_space<vmem>> -> memref<128xi32, #tpu.memory_space<vmem>>
      %dma_wait3A_385 = arith.constant 0 : i32
      %dma_wait3A_386 = arith.constant 0 : i32
      %dma_wait3A_387 = tpu.memref_slice %arg3[%dma_wait3A_385, %dma_wait3A_386] : memref<100000x128xf32, #tpu.memory_space<hbm>> -> memref<100000x128xf32, #tpu.memory_space<hbm>>
      tpu.wait_indirect_dma semaphore(%arg21 : memref<!tpu.dma_semaphore, #tpu.memory_space<semaphore_mem>>) src(%dma_wait3A_387 : memref<100000x128xf32, #tpu.memory_space<hbm>>) dst(%arg10 : memref<128x128xf32, #tpu.memory_space<vmem>>)
      %mul3A_388 = arith.constant 32 : i32
      %mul3A_389 = arith.muli %mul3A_388, %add3A_380 : i32
      %add3A_390 = arith.addi %add3A, %mul3A_389 : i32
      %mul3A_391 = arith.constant 128 : i32
      %mul3A_392 = arith.muli %add3A_390, %mul3A_391 : i32
      %dma_start3A_393 = arith.constant 0 : i32
      %dma_start3A_394 = tpu.memref_slice %arg5[%mul3A_392, %dma_start3A_393] : memref<204800x128xf32, #tpu.memory_space<hbm>> -> memref<128x128xf32, #tpu.memory_space<hbm>>
      %dma_start3A_395 = arith.constant 0 : i32
      %dma_start3A_396 = tpu.memref_slice %arg5[%mul3A_392, %dma_start3A_395] : memref<204800x128xf32, #tpu.memory_space<hbm>> -> memref<128x128xf32, #tpu.memory_space<hbm>>
      tpu.enqueue_dma source(%arg10 : memref<128x128xf32, #tpu.memory_space<vmem>>) target(%dma_start3A_396 : memref<128x128xf32, #tpu.memory_space<hbm>>) target_semaphore(%arg26 : memref<!tpu.dma_semaphore, #tpu.memory_space<semaphore_mem>>)
      %dma_wait3A_397 = arith.constant 0 : i32
      %dma_wait3A_398 = arith.constant 0 : i32
      %dma_wait3A_399 = tpu.memref_slice %arg5[%dma_wait3A_397, %dma_wait3A_398] : memref<204800x128xf32, #tpu.memory_space<hbm>> -> memref<128x128xf32, #tpu.memory_space<hbm>>
      %dma_wait3A_400 = arith.constant 0 : i32
      %dma_wait3A_401 = arith.constant 0 : i32
      %dma_wait3A_402 = tpu.memref_slice %arg5[%dma_wait3A_400, %dma_wait3A_401] : memref<204800x128xf32, #tpu.memory_space<hbm>> -> memref<128x128xf32, #tpu.memory_space<hbm>>
      tpu.wait_dma2 semaphore(%arg25 : memref<!tpu.dma_semaphore, #tpu.memory_space<semaphore_mem>>) src(%arg9 : memref<128x128xf32, #tpu.memory_space<vmem>>) dst(%dma_wait3A_402 : memref<128x128xf32, #tpu.memory_space<hbm>>)
      %add3A_403 = arith.constant 5 : i32
      %add3A_404 = arith.addi %add3A_380, %add3A_403 : i32
      %sub3A_405 = arith.constant 1 : i32
      %sub3A_406 = arith.subi %add3A_404, %sub3A_405 : i32
      %mul3A_407 = arith.constant 32 : i32
      %mul3A_408 = arith.muli %mul3A_407, %sub3A_406 : i32
      %add3A_409 = arith.addi %add3A, %mul3A_408 : i32
      %mul3A_410 = arith.constant 128 : i32
      %mul3A_411 = arith.muli %add3A_409, %mul3A_410 : i32
      %rem3A_412 = arith.constant 200 : i32
      %rem3A_413 = arith.remsi %mul3A_411, %rem3A_412 : i32
      %dma_start3A_414 = arith.constant 0 : i32
      %dma_start3A_415 = tpu.memref_slice %arg12[%rem3A_413, %dma_start3A_414] : memref<400x128xf32, #tpu.memory_space<vmem_shared>> -> memref<128x128xf32, #tpu.memory_space<vmem_shared>>
      %dma_start3A_416 = arith.constant 0 : i32
      %dma_start3A_417 = tpu.memref_slice %arg12[%rem3A_413, %dma_start3A_416] : memref<400x128xf32, #tpu.memory_space<vmem_shared>> -> memref<128x128xf32, #tpu.memory_space<vmem_shared>>
      tpu.enqueue_dma source(%dma_start3A_417 : memref<128x128xf32, #tpu.memory_space<vmem_shared>>) target(%arg9 : memref<128x128xf32, #tpu.memory_space<vmem>>) target_semaphore(%arg15 : memref<!tpu.dma_semaphore, #tpu.memory_space<semaphore_mem>>)
      %dma_wait3A_418 = arith.constant 0 : i32
      %dma_wait3A_419 = arith.constant 0 : i32
      %dma_wait3A_420 = tpu.memref_slice %arg12[%dma_wait3A_418, %dma_wait3A_419] : memref<400x128xf32, #tpu.memory_space<vmem_shared>> -> memref<128x128xf32, #tpu.memory_space<vmem_shared>>
      %dma_wait3A_421 = arith.constant 0 : i32
      %dma_wait3A_422 = arith.constant 0 : i32
      %dma_wait3A_423 = tpu.memref_slice %arg12[%dma_wait3A_421, %dma_wait3A_422] : memref<400x128xf32, #tpu.memory_space<vmem_shared>> -> memref<128x128xf32, #tpu.memory_space<vmem_shared>>
      tpu.wait_dma2 semaphore(%arg14 : memref<!tpu.dma_semaphore, #tpu.memory_space<semaphore_mem>>) src(%dma_wait3A_423 : memref<128x128xf32, #tpu.memory_space<vmem_shared>>) dst(%arg8 : memref<128x128xf32, #tpu.memory_space<vmem>>)
      %add3A_424 = arith.constant 5 : i32
      %add3A_425 = arith.addi %add3A_380, %add3A_424 : i32
      %sub3A_426 = arith.constant 2 : i32
      %sub3A_427 = arith.subi %add3A_425, %sub3A_426 : i32
      %mul3A_428 = arith.constant 32 : i32
      %mul3A_429 = arith.muli %mul3A_428, %sub3A_427 : i32
      %add3A_430 = arith.addi %add3A, %mul3A_429 : i32
      %mul3A_431 = arith.constant 128 : i32
      %mul3A_432 = arith.muli %add3A_430, %mul3A_431 : i32
      %run_scoped3A_433 = arith.constant 1 : i32
      "tpu.region"() ({
        %run_scoped3A_566 = tpu.sem_alloc : memref<!tpu.dma_semaphore, #tpu.memory_space<semaphore_mem>>
        %dma_start3A_567 = arith.constant 0 : i32
        %dma_start3A_568 = tpu.memref_slice %arg6[%run_scoped3A_433, %dma_start3A_567] : memref<5x128xi32, #tpu.memory_space<vmem>> -> memref<1x128xi32, #tpu.memory_space<vmem>>
        %dma_start3A_569 = tpu.memref_squeeze %dma_start3A_568 : memref<1x128xi32, #tpu.memory_space<vmem>> -> memref<128xi32, #tpu.memory_space<vmem>>
        %dma_start3A_570 = tpu.memref_slice %arg2[%mul3A_432] : memref<204800xi32, #tpu.memory_space<hbm>> -> memref<128xi32, #tpu.memory_space<hbm>>
        %dma_start3A_571 = arith.constant 0 : i32
        %dma_start3A_572 = tpu.memref_slice %arg6[%run_scoped3A_433, %dma_start3A_571] : memref<5x128xi32, #tpu.memory_space<vmem>> -> memref<1x128xi32, #tpu.memory_space<vmem>>
        %dma_start3A_573 = tpu.memref_squeeze %dma_start3A_572 : memref<1x128xi32, #tpu.memory_space<vmem>> -> memref<128xi32, #tpu.memory_space<vmem>>
        %dma_start3A_574 = tpu.memref_slice %arg2[%mul3A_432] : memref<204800xi32, #tpu.memory_space<hbm>> -> memref<128xi32, #tpu.memory_space<hbm>>
        tpu.enqueue_dma source(%dma_start3A_574 : memref<128xi32, #tpu.memory_space<hbm>>) target(%dma_start3A_573 : memref<128xi32, #tpu.memory_space<vmem>>) target_semaphore(%run_scoped3A_566 : memref<!tpu.dma_semaphore, #tpu.memory_space<semaphore_mem>>)
        %dma_wait3A_575 = arith.constant 0 : i32
        %dma_wait3A_576 = tpu.memref_slice %arg6[%run_scoped3A_433, %dma_wait3A_575] : memref<5x128xi32, #tpu.memory_space<vmem>> -> memref<1x128xi32, #tpu.memory_space<vmem>>
        %dma_wait3A_577 = tpu.memref_squeeze %dma_wait3A_576 : memref<1x128xi32, #tpu.memory_space<vmem>> -> memref<128xi32, #tpu.memory_space<vmem>>
        %dma_wait3A_578 = tpu.memref_slice %arg2[%mul3A_432] : memref<204800xi32, #tpu.memory_space<hbm>> -> memref<128xi32, #tpu.memory_space<hbm>>
        %dma_wait3A_579 = arith.constant 0 : i32
        %dma_wait3A_580 = tpu.memref_slice %arg6[%run_scoped3A_433, %dma_wait3A_579] : memref<5x128xi32, #tpu.memory_space<vmem>> -> memref<1x128xi32, #tpu.memory_space<vmem>>
        %dma_wait3A_581 = tpu.memref_squeeze %dma_wait3A_580 : memref<1x128xi32, #tpu.memory_space<vmem>> -> memref<128xi32, #tpu.memory_space<vmem>>
        %dma_wait3A_582 = tpu.memref_slice %arg2[%mul3A_432] : memref<204800xi32, #tpu.memory_space<hbm>> -> memref<128xi32, #tpu.memory_space<hbm>>
        tpu.wait_dma2 semaphore(%run_scoped3A_566 : memref<!tpu.dma_semaphore, #tpu.memory_space<semaphore_mem>>) src(%dma_wait3A_582 : memref<128xi32, #tpu.memory_space<hbm>>) dst(%dma_wait3A_581 : memref<128xi32, #tpu.memory_space<vmem>>)
        tpu.yield
      }) : () -> ()
      %dma_start3A_434 = arith.constant 1 : i32
      %dma_start3A_435 = arith.constant 0 : i32
      %dma_start3A_436 = tpu.memref_slice %arg6[%dma_start3A_434, %dma_start3A_435] : memref<5x128xi32, #tpu.memory_space<vmem>> -> memref<1x128xi32, #tpu.memory_space<vmem>>
      %dma_start3A_437 = tpu.memref_squeeze %dma_start3A_436 : memref<1x128xi32, #tpu.memory_space<vmem>> -> memref<128xi32, #tpu.memory_space<vmem>>
      %dma_start3A_438 = arith.constant 0 : i32
      %dma_start3A_439 = arith.constant 0 : i32
      %dma_start3A_440 = tpu.memref_slice %arg3[%dma_start3A_438, %dma_start3A_439] : memref<100000x128xf32, #tpu.memory_space<hbm>> -> memref<100000x128xf32, #tpu.memory_space<hbm>>
      tpu.enqueue_indirect_dma source(%dma_start3A_440 : memref<100000x128xf32, #tpu.memory_space<hbm>>) target(%arg8 : memref<128x128xf32, #tpu.memory_space<vmem>>) offsets(%dma_start3A_437 : memref<128xi32, #tpu.memory_space<vmem>>) semaphore(%arg19 : memref<!tpu.dma_semaphore, #tpu.memory_space<semaphore_mem>>) {add = true}
      %add3A_441 = arith.constant 3 : i32
      %add3A_442 = arith.addi %add3A_255, %add3A_441 : i32
      %dma_wait3A_443 = arith.constant 4 : i32
      %dma_wait3A_444 = arith.constant 0 : i32
      %dma_wait3A_445 = tpu.memref_slice %arg6[%dma_wait3A_443, %dma_wait3A_444] : memref<5x128xi32, #tpu.memory_space<vmem>> -> memref<1x128xi32, #tpu.memory_space<vmem>>
      %dma_wait3A_446 = tpu.memref_squeeze %dma_wait3A_445 : memref<1x128xi32, #tpu.memory_space<vmem>> -> memref<128xi32, #tpu.memory_space<vmem>>
      %dma_wait3A_447 = arith.constant 0 : i32
      %dma_wait3A_448 = arith.constant 0 : i32
      %dma_wait3A_449 = tpu.memref_slice %arg3[%dma_wait3A_447, %dma_wait3A_448] : memref<100000x128xf32, #tpu.memory_space<hbm>> -> memref<100000x128xf32, #tpu.memory_space<hbm>>
      tpu.wait_indirect_dma semaphore(%arg22 : memref<!tpu.dma_semaphore, #tpu.memory_space<semaphore_mem>>) src(%dma_wait3A_449 : memref<100000x128xf32, #tpu.memory_space<hbm>>) dst(%arg11 : memref<128x128xf32, #tpu.memory_space<vmem>>)
      %mul3A_450 = arith.constant 32 : i32
      %mul3A_451 = arith.muli %mul3A_450, %add3A_442 : i32
      %add3A_452 = arith.addi %add3A, %mul3A_451 : i32
      %mul3A_453 = arith.constant 128 : i32
      %mul3A_454 = arith.muli %add3A_452, %mul3A_453 : i32
      %dma_start3A_455 = arith.constant 0 : i32
      %dma_start3A_456 = tpu.memref_slice %arg5[%mul3A_454, %dma_start3A_455] : memref<204800x128xf32, #tpu.memory_space<hbm>> -> memref<128x128xf32, #tpu.memory_space<hbm>>
      %dma_start3A_457 = arith.constant 0 : i32
      %dma_start3A_458 = tpu.memref_slice %arg5[%mul3A_454, %dma_start3A_457] : memref<204800x128xf32, #tpu.memory_space<hbm>> -> memref<128x128xf32, #tpu.memory_space<hbm>>
      tpu.enqueue_dma source(%arg11 : memref<128x128xf32, #tpu.memory_space<vmem>>) target(%dma_start3A_458 : memref<128x128xf32, #tpu.memory_space<hbm>>) target_semaphore(%arg27 : memref<!tpu.dma_semaphore, #tpu.memory_space<semaphore_mem>>)
      %dma_wait3A_459 = arith.constant 0 : i32
      %dma_wait3A_460 = arith.constant 0 : i32
      %dma_wait3A_461 = tpu.memref_slice %arg5[%dma_wait3A_459, %dma_wait3A_460] : memref<204800x128xf32, #tpu.memory_space<hbm>> -> memref<128x128xf32, #tpu.memory_space<hbm>>
      %dma_wait3A_462 = arith.constant 0 : i32
      %dma_wait3A_463 = arith.constant 0 : i32
      %dma_wait3A_464 = tpu.memref_slice %arg5[%dma_wait3A_462, %dma_wait3A_463] : memref<204800x128xf32, #tpu.memory_space<hbm>> -> memref<128x128xf32, #tpu.memory_space<hbm>>
      tpu.wait_dma2 semaphore(%arg26 : memref<!tpu.dma_semaphore, #tpu.memory_space<semaphore_mem>>) src(%arg10 : memref<128x128xf32, #tpu.memory_space<vmem>>) dst(%dma_wait3A_464 : memref<128x128xf32, #tpu.memory_space<hbm>>)
      %add3A_465 = arith.constant 5 : i32
      %add3A_466 = arith.addi %add3A_442, %add3A_465 : i32
      %sub3A_467 = arith.constant 1 : i32
      %sub3A_468 = arith.subi %add3A_466, %sub3A_467 : i32
      %mul3A_469 = arith.constant 32 : i32
      %mul3A_470 = arith.muli %mul3A_469, %sub3A_468 : i32
      %add3A_471 = arith.addi %add3A, %mul3A_470 : i32
      %mul3A_472 = arith.constant 128 : i32
      %mul3A_473 = arith.muli %add3A_471, %mul3A_472 : i32
      %rem3A_474 = arith.constant 200 : i32
      %rem3A_475 = arith.remsi %mul3A_473, %rem3A_474 : i32
      %dma_start3A_476 = arith.constant 0 : i32
      %dma_start3A_477 = tpu.memref_slice %arg12[%rem3A_475, %dma_start3A_476] : memref<400x128xf32, #tpu.memory_space<vmem_shared>> -> memref<128x128xf32, #tpu.memory_space<vmem_shared>>
      %dma_start3A_478 = arith.constant 0 : i32
      %dma_start3A_479 = tpu.memref_slice %arg12[%rem3A_475, %dma_start3A_478] : memref<400x128xf32, #tpu.memory_space<vmem_shared>> -> memref<128x128xf32, #tpu.memory_space<vmem_shared>>
      tpu.enqueue_dma source(%dma_start3A_479 : memref<128x128xf32, #tpu.memory_space<vmem_shared>>) target(%arg10 : memref<128x128xf32, #tpu.memory_space<vmem>>) target_semaphore(%arg16 : memref<!tpu.dma_semaphore, #tpu.memory_space<semaphore_mem>>)
      %dma_wait3A_480 = arith.constant 0 : i32
      %dma_wait3A_481 = arith.constant 0 : i32
      %dma_wait3A_482 = tpu.memref_slice %arg12[%dma_wait3A_480, %dma_wait3A_481] : memref<400x128xf32, #tpu.memory_space<vmem_shared>> -> memref<128x128xf32, #tpu.memory_space<vmem_shared>>
      %dma_wait3A_483 = arith.constant 0 : i32
      %dma_wait3A_484 = arith.constant 0 : i32
      %dma_wait3A_485 = tpu.memref_slice %arg12[%dma_wait3A_483, %dma_wait3A_484] : memref<400x128xf32, #tpu.memory_space<vmem_shared>> -> memref<128x128xf32, #tpu.memory_space<vmem_shared>>
      tpu.wait_dma2 semaphore(%arg15 : memref<!tpu.dma_semaphore, #tpu.memory_space<semaphore_mem>>) src(%dma_wait3A_485 : memref<128x128xf32, #tpu.memory_space<vmem_shared>>) dst(%arg9 : memref<128x128xf32, #tpu.memory_space<vmem>>)
      %add3A_486 = arith.constant 5 : i32
      %add3A_487 = arith.addi %add3A_442, %add3A_486 : i32
      %sub3A_488 = arith.constant 2 : i32
      %sub3A_489 = arith.subi %add3A_487, %sub3A_488 : i32
      %mul3A_490 = arith.constant 32 : i32
      %mul3A_491 = arith.muli %mul3A_490, %sub3A_489 : i32
      %add3A_492 = arith.addi %add3A, %mul3A_491 : i32
      %mul3A_493 = arith.constant 128 : i32
      %mul3A_494 = arith.muli %add3A_492, %mul3A_493 : i32
      %run_scoped3A_495 = arith.constant 2 : i32
      "tpu.region"() ({
        %run_scoped3A_566 = tpu.sem_alloc : memref<!tpu.dma_semaphore, #tpu.memory_space<semaphore_mem>>
        %dma_start3A_567 = arith.constant 0 : i32
        %dma_start3A_568 = tpu.memref_slice %arg6[%run_scoped3A_495, %dma_start3A_567] : memref<5x128xi32, #tpu.memory_space<vmem>> -> memref<1x128xi32, #tpu.memory_space<vmem>>
        %dma_start3A_569 = tpu.memref_squeeze %dma_start3A_568 : memref<1x128xi32, #tpu.memory_space<vmem>> -> memref<128xi32, #tpu.memory_space<vmem>>
        %dma_start3A_570 = tpu.memref_slice %arg2[%mul3A_494] : memref<204800xi32, #tpu.memory_space<hbm>> -> memref<128xi32, #tpu.memory_space<hbm>>
        %dma_start3A_571 = arith.constant 0 : i32
        %dma_start3A_572 = tpu.memref_slice %arg6[%run_scoped3A_495, %dma_start3A_571] : memref<5x128xi32, #tpu.memory_space<vmem>> -> memref<1x128xi32, #tpu.memory_space<vmem>>
        %dma_start3A_573 = tpu.memref_squeeze %dma_start3A_572 : memref<1x128xi32, #tpu.memory_space<vmem>> -> memref<128xi32, #tpu.memory_space<vmem>>
        %dma_start3A_574 = tpu.memref_slice %arg2[%mul3A_494] : memref<204800xi32, #tpu.memory_space<hbm>> -> memref<128xi32, #tpu.memory_space<hbm>>
        tpu.enqueue_dma source(%dma_start3A_574 : memref<128xi32, #tpu.memory_space<hbm>>) target(%dma_start3A_573 : memref<128xi32, #tpu.memory_space<vmem>>) target_semaphore(%run_scoped3A_566 : memref<!tpu.dma_semaphore, #tpu.memory_space<semaphore_mem>>)
        %dma_wait3A_575 = arith.constant 0 : i32
        %dma_wait3A_576 = tpu.memref_slice %arg6[%run_scoped3A_495, %dma_wait3A_575] : memref<5x128xi32, #tpu.memory_space<vmem>> -> memref<1x128xi32, #tpu.memory_space<vmem>>
        %dma_wait3A_577 = tpu.memref_squeeze %dma_wait3A_576 : memref<1x128xi32, #tpu.memory_space<vmem>> -> memref<128xi32, #tpu.memory_space<vmem>>
        %dma_wait3A_578 = tpu.memref_slice %arg2[%mul3A_494] : memref<204800xi32, #tpu.memory_space<hbm>> -> memref<128xi32, #tpu.memory_space<hbm>>
        %dma_wait3A_579 = arith.constant 0 : i32
        %dma_wait3A_580 = tpu.memref_slice %arg6[%run_scoped3A_495, %dma_wait3A_579] : memref<5x128xi32, #tpu.memory_space<vmem>> -> memref<1x128xi32, #tpu.memory_space<vmem>>
        %dma_wait3A_581 = tpu.memref_squeeze %dma_wait3A_580 : memref<1x128xi32, #tpu.memory_space<vmem>> -> memref<128xi32, #tpu.memory_space<vmem>>
        %dma_wait3A_582 = tpu.memref_slice %arg2[%mul3A_494] : memref<204800xi32, #tpu.memory_space<hbm>> -> memref<128xi32, #tpu.memory_space<hbm>>
        tpu.wait_dma2 semaphore(%run_scoped3A_566 : memref<!tpu.dma_semaphore, #tpu.memory_space<semaphore_mem>>) src(%dma_wait3A_582 : memref<128xi32, #tpu.memory_space<hbm>>) dst(%dma_wait3A_581 : memref<128xi32, #tpu.memory_space<vmem>>)
        tpu.yield
      }) : () -> ()
      %dma_start3A_496 = arith.constant 2 : i32
      %dma_start3A_497 = arith.constant 0 : i32
      %dma_start3A_498 = tpu.memref_slice %arg6[%dma_start3A_496, %dma_start3A_497] : memref<5x128xi32, #tpu.memory_space<vmem>> -> memref<1x128xi32, #tpu.memory_space<vmem>>
      %dma_start3A_499 = tpu.memref_squeeze %dma_start3A_498 : memref<1x128xi32, #tpu.memory_space<vmem>> -> memref<128xi32, #tpu.memory_space<vmem>>
      %dma_start3A_500 = arith.constant 0 : i32
      %dma_start3A_501 = arith.constant 0 : i32
      %dma_start3A_502 = tpu.memref_slice %arg3[%dma_start3A_500, %dma_start3A_501] : memref<100000x128xf32, #tpu.memory_space<hbm>> -> memref<100000x128xf32, #tpu.memory_space<hbm>>
      tpu.enqueue_indirect_dma source(%dma_start3A_502 : memref<100000x128xf32, #tpu.memory_space<hbm>>) target(%arg9 : memref<128x128xf32, #tpu.memory_space<vmem>>) offsets(%dma_start3A_499 : memref<128xi32, #tpu.memory_space<vmem>>) semaphore(%arg20 : memref<!tpu.dma_semaphore, #tpu.memory_space<semaphore_mem>>) {add = true}
      %add3A_503 = arith.constant 4 : i32
      %add3A_504 = arith.addi %add3A_255, %add3A_503 : i32
      %dma_wait3A_505 = arith.constant 0 : i32
      %dma_wait3A_506 = arith.constant 0 : i32
      %dma_wait3A_507 = tpu.memref_slice %arg6[%dma_wait3A_505, %dma_wait3A_506] : memref<5x128xi32, #tpu.memory_space<vmem>> -> memref<1x128xi32, #tpu.memory_space<vmem>>
      %dma_wait3A_508 = tpu.memref_squeeze %dma_wait3A_507 : memref<1x128xi32, #tpu.memory_space<vmem>> -> memref<128xi32, #tpu.memory_space<vmem>>
      %dma_wait3A_509 = arith.constant 0 : i32
      %dma_wait3A_510 = arith.constant 0 : i32
      %dma_wait3A_511 = tpu.memref_slice %arg3[%dma_wait3A_509, %dma_wait3A_510] : memref<100000x128xf32, #tpu.memory_space<hbm>> -> memref<100000x128xf32, #tpu.memory_space<hbm>>
      tpu.wait_indirect_dma semaphore(%arg18 : memref<!tpu.dma_semaphore, #tpu.memory_space<semaphore_mem>>) src(%dma_wait3A_511 : memref<100000x128xf32, #tpu.memory_space<hbm>>) dst(%arg7 : memref<128x128xf32, #tpu.memory_space<vmem>>)
      %mul3A_512 = arith.constant 32 : i32
      %mul3A_513 = arith.muli %mul3A_512, %add3A_504 : i32
      %add3A_514 = arith.addi %add3A, %mul3A_513 : i32
      %mul3A_515 = arith.constant 128 : i32
      %mul3A_516 = arith.muli %add3A_514, %mul3A_515 : i32
      %dma_start3A_517 = arith.constant 0 : i32
      %dma_start3A_518 = tpu.memref_slice %arg5[%mul3A_516, %dma_start3A_517] : memref<204800x128xf32, #tpu.memory_space<hbm>> -> memref<128x128xf32, #tpu.memory_space<hbm>>
      %dma_start3A_519 = arith.constant 0 : i32
      %dma_start3A_520 = tpu.memref_slice %arg5[%mul3A_516, %dma_start3A_519] : memref<204800x128xf32, #tpu.memory_space<hbm>> -> memref<128x128xf32, #tpu.memory_space<hbm>>
      tpu.enqueue_dma source(%arg7 : memref<128x128xf32, #tpu.memory_space<vmem>>) target(%dma_start3A_520 : memref<128x128xf32, #tpu.memory_space<hbm>>) target_semaphore(%arg23 : memref<!tpu.dma_semaphore, #tpu.memory_space<semaphore_mem>>)
      %dma_wait3A_521 = arith.constant 0 : i32
      %dma_wait3A_522 = arith.constant 0 : i32
      %dma_wait3A_523 = tpu.memref_slice %arg5[%dma_wait3A_521, %dma_wait3A_522] : memref<204800x128xf32, #tpu.memory_space<hbm>> -> memref<128x128xf32, #tpu.memory_space<hbm>>
      %dma_wait3A_524 = arith.constant 0 : i32
      %dma_wait3A_525 = arith.constant 0 : i32
      %dma_wait3A_526 = tpu.memref_slice %arg5[%dma_wait3A_524, %dma_wait3A_525] : memref<204800x128xf32, #tpu.memory_space<hbm>> -> memref<128x128xf32, #tpu.memory_space<hbm>>
      tpu.wait_dma2 semaphore(%arg27 : memref<!tpu.dma_semaphore, #tpu.memory_space<semaphore_mem>>) src(%arg11 : memref<128x128xf32, #tpu.memory_space<vmem>>) dst(%dma_wait3A_526 : memref<128x128xf32, #tpu.memory_space<hbm>>)
      %add3A_527 = arith.constant 5 : i32
      %add3A_528 = arith.addi %add3A_504, %add3A_527 : i32
      %sub3A_529 = arith.constant 1 : i32
      %sub3A_530 = arith.subi %add3A_528, %sub3A_529 : i32
      %mul3A_531 = arith.constant 32 : i32
      %mul3A_532 = arith.muli %mul3A_531, %sub3A_530 : i32
      %add3A_533 = arith.addi %add3A, %mul3A_532 : i32
      %mul3A_534 = arith.constant 128 : i32
      %mul3A_535 = arith.muli %add3A_533, %mul3A_534 : i32
      %rem3A_536 = arith.constant 200 : i32
      %rem3A_537 = arith.remsi %mul3A_535, %rem3A_536 : i32
      %dma_start3A_538 = arith.constant 0 : i32
      %dma_start3A_539 = tpu.memref_slice %arg12[%rem3A_537, %dma_start3A_538] : memref<400x128xf32, #tpu.memory_space<vmem_shared>> -> memref<128x128xf32, #tpu.memory_space<vmem_shared>>
      %dma_start3A_540 = arith.constant 0 : i32
      %dma_start3A_541 = tpu.memref_slice %arg12[%rem3A_537, %dma_start3A_540] : memref<400x128xf32, #tpu.memory_space<vmem_shared>> -> memref<128x128xf32, #tpu.memory_space<vmem_shared>>
      tpu.enqueue_dma source(%dma_start3A_541 : memref<128x128xf32, #tpu.memory_space<vmem_shared>>) target(%arg11 : memref<128x128xf32, #tpu.memory_space<vmem>>) target_semaphore(%arg17 : memref<!tpu.dma_semaphore, #tpu.memory_space<semaphore_mem>>)
      %dma_wait3A_542 = arith.constant 0 : i32
      %dma_wait3A_543 = arith.constant 0 : i32
      %dma_wait3A_544 = tpu.memref_slice %arg12[%dma_wait3A_542, %dma_wait3A_543] : memref<400x128xf32, #tpu.memory_space<vmem_shared>> -> memref<128x128xf32, #tpu.memory_space<vmem_shared>>
      %dma_wait3A_545 = arith.constant 0 : i32
      %dma_wait3A_546 = arith.constant 0 : i32
      %dma_wait3A_547 = tpu.memref_slice %arg12[%dma_wait3A_545, %dma_wait3A_546] : memref<400x128xf32, #tpu.memory_space<vmem_shared>> -> memref<128x128xf32, #tpu.memory_space<vmem_shared>>
      tpu.wait_dma2 semaphore(%arg16 : memref<!tpu.dma_semaphore, #tpu.memory_space<semaphore_mem>>) src(%dma_wait3A_547 : memref<128x128xf32, #tpu.memory_space<vmem_shared>>) dst(%arg10 : memref<128x128xf32, #tpu.memory_space<vmem>>)
      %add3A_548 = arith.constant 5 : i32
      %add3A_549 = arith.addi %add3A_504, %add3A_548 : i32
      %sub3A_550 = arith.constant 2 : i32
      %sub3A_551 = arith.subi %add3A_549, %sub3A_550 : i32
      %mul3A_552 = arith.constant 32 : i32
      %mul3A_553 = arith.muli %mul3A_552, %sub3A_551 : i32
      %add3A_554 = arith.addi %add3A, %mul3A_553 : i32
      %mul3A_555 = arith.constant 128 : i32
      %mul3A_556 = arith.muli %add3A_554, %mul3A_555 : i32
      %run_scoped3A_557 = arith.constant 3 : i32
      "tpu.region"() ({
        %run_scoped3A_566 = tpu.sem_alloc : memref<!tpu.dma_semaphore, #tpu.memory_space<semaphore_mem>>
        %dma_start3A_567 = arith.constant 0 : i32
        %dma_start3A_568 = tpu.memref_slice %arg6[%run_scoped3A_557, %dma_start3A_567] : memref<5x128xi32, #tpu.memory_space<vmem>> -> memref<1x128xi32, #tpu.memory_space<vmem>>
        %dma_start3A_569 = tpu.memref_squeeze %dma_start3A_568 : memref<1x128xi32, #tpu.memory_space<vmem>> -> memref<128xi32, #tpu.memory_space<vmem>>
        %dma_start3A_570 = tpu.memref_slice %arg2[%mul3A_556] : memref<204800xi32, #tpu.memory_space<hbm>> -> memref<128xi32, #tpu.memory_space<hbm>>
        %dma_start3A_571 = arith.constant 0 : i32
        %dma_start3A_572 = tpu.memref_slice %arg6[%run_scoped3A_557, %dma_start3A_571] : memref<5x128xi32, #tpu.memory_space<vmem>> -> memref<1x128xi32, #tpu.memory_space<vmem>>
        %dma_start3A_573 = tpu.memref_squeeze %dma_start3A_572 : memref<1x128xi32, #tpu.memory_space<vmem>> -> memref<128xi32, #tpu.memory_space<vmem>>
        %dma_start3A_574 = tpu.memref_slice %arg2[%mul3A_556] : memref<204800xi32, #tpu.memory_space<hbm>> -> memref<128xi32, #tpu.memory_space<hbm>>
        tpu.enqueue_dma source(%dma_start3A_574 : memref<128xi32, #tpu.memory_space<hbm>>) target(%dma_start3A_573 : memref<128xi32, #tpu.memory_space<vmem>>) target_semaphore(%run_scoped3A_566 : memref<!tpu.dma_semaphore, #tpu.memory_space<semaphore_mem>>)
        %dma_wait3A_575 = arith.constant 0 : i32
        %dma_wait3A_576 = tpu.memref_slice %arg6[%run_scoped3A_557, %dma_wait3A_575] : memref<5x128xi32, #tpu.memory_space<vmem>> -> memref<1x128xi32, #tpu.memory_space<vmem>>
        %dma_wait3A_577 = tpu.memref_squeeze %dma_wait3A_576 : memref<1x128xi32, #tpu.memory_space<vmem>> -> memref<128xi32, #tpu.memory_space<vmem>>
        %dma_wait3A_578 = tpu.memref_slice %arg2[%mul3A_556] : memref<204800xi32, #tpu.memory_space<hbm>> -> memref<128xi32, #tpu.memory_space<hbm>>
        %dma_wait3A_579 = arith.constant 0 : i32
        %dma_wait3A_580 = tpu.memref_slice %arg6[%run_scoped3A_557, %dma_wait3A_579] : memref<5x128xi32, #tpu.memory_space<vmem>> -> memref<1x128xi32, #tpu.memory_space<vmem>>
        %dma_wait3A_581 = tpu.memref_squeeze %dma_wait3A_580 : memref<1x128xi32, #tpu.memory_space<vmem>> -> memref<128xi32, #tpu.memory_space<vmem>>
        %dma_wait3A_582 = tpu.memref_slice %arg2[%mul3A_556] : memref<204800xi32, #tpu.memory_space<hbm>> -> memref<128xi32, #tpu.memory_space<hbm>>
        tpu.wait_dma2 semaphore(%run_scoped3A_566 : memref<!tpu.dma_semaphore, #tpu.memory_space<semaphore_mem>>) src(%dma_wait3A_582 : memref<128xi32, #tpu.memory_space<hbm>>) dst(%dma_wait3A_581 : memref<128xi32, #tpu.memory_space<vmem>>)
        tpu.yield
      }) : () -> ()
      %dma_start3A_558 = arith.constant 3 : i32
      %dma_start3A_559 = arith.constant 0 : i32
      %dma_start3A_560 = tpu.memref_slice %arg6[%dma_start3A_558, %dma_start3A_559] : memref<5x128xi32, #tpu.memory_space<vmem>> -> memref<1x128xi32, #tpu.memory_space<vmem>>
      %dma_start3A_561 = tpu.memref_squeeze %dma_start3A_560 : memref<1x128xi32, #tpu.memory_space<vmem>> -> memref<128xi32, #tpu.memory_space<vmem>>
      %dma_start3A_562 = arith.constant 0 : i32
      %dma_start3A_563 = arith.constant 0 : i32
      %dma_start3A_564 = tpu.memref_slice %arg3[%dma_start3A_562, %dma_start3A_563] : memref<100000x128xf32, #tpu.memory_space<hbm>> -> memref<100000x128xf32, #tpu.memory_space<hbm>>
      tpu.enqueue_indirect_dma source(%dma_start3A_564 : memref<100000x128xf32, #tpu.memory_space<hbm>>) target(%arg10 : memref<128x128xf32, #tpu.memory_space<vmem>>) offsets(%dma_start3A_561 : memref<128xi32, #tpu.memory_space<vmem>>) semaphore(%arg21 : memref<!tpu.dma_semaphore, #tpu.memory_space<semaphore_mem>>) {add = true}
      %scan3A_565 = arith.constant 0 : i32
      scf.yield %scan3A_565 : i32
    }
    %scan3A_141 = arith.constant 9 : i32
    %dma_wait3A_142 = arith.constant 1 : i32
    %dma_wait3A_143 = arith.constant 0 : i32
    %dma_wait3A_144 = tpu.memref_slice %arg6[%dma_wait3A_142, %dma_wait3A_143] : memref<5x128xi32, #tpu.memory_space<vmem>> -> memref<1x128xi32, #tpu.memory_space<vmem>>
    %dma_wait3A_145 = tpu.memref_squeeze %dma_wait3A_144 : memref<1x128xi32, #tpu.memory_space<vmem>> -> memref<128xi32, #tpu.memory_space<vmem>>
    %dma_wait3A_146 = arith.constant 0 : i32
    %dma_wait3A_147 = arith.constant 0 : i32
    %dma_wait3A_148 = tpu.memref_slice %arg3[%dma_wait3A_146, %dma_wait3A_147] : memref<100000x128xf32, #tpu.memory_space<hbm>> -> memref<100000x128xf32, #tpu.memory_space<hbm>>
    tpu.wait_indirect_dma semaphore(%arg19 : memref<!tpu.dma_semaphore, #tpu.memory_space<semaphore_mem>>) src(%dma_wait3A_148 : memref<100000x128xf32, #tpu.memory_space<hbm>>) dst(%arg8 : memref<128x128xf32, #tpu.memory_space<vmem>>)
    %add3A_149 = arith.constant 1472 : i32
    %add3A_150 = arith.addi %add3A, %add3A_149 : i32
    %mul3A_151 = arith.constant 128 : i32
    %mul3A_152 = arith.muli %add3A_150, %mul3A_151 : i32
    %dma_start3A_153 = arith.constant 0 : i32
    %dma_start3A_154 = tpu.memref_slice %arg5[%mul3A_152, %dma_start3A_153] : memref<204800x128xf32, #tpu.memory_space<hbm>> -> memref<128x128xf32, #tpu.memory_space<hbm>>
    %dma_start3A_155 = arith.constant 0 : i32
    %dma_start3A_156 = tpu.memref_slice %arg5[%mul3A_152, %dma_start3A_155] : memref<204800x128xf32, #tpu.memory_space<hbm>> -> memref<128x128xf32, #tpu.memory_space<hbm>>
    tpu.enqueue_dma source(%arg8 : memref<128x128xf32, #tpu.memory_space<vmem>>) target(%dma_start3A_156 : memref<128x128xf32, #tpu.memory_space<hbm>>) target_semaphore(%arg24 : memref<!tpu.dma_semaphore, #tpu.memory_space<semaphore_mem>>)
    %dma_wait3A_157 = arith.constant 0 : i32
    %dma_wait3A_158 = arith.constant 0 : i32
    %dma_wait3A_159 = tpu.memref_slice %arg5[%dma_wait3A_157, %dma_wait3A_158] : memref<204800x128xf32, #tpu.memory_space<hbm>> -> memref<128x128xf32, #tpu.memory_space<hbm>>
    %dma_wait3A_160 = arith.constant 0 : i32
    %dma_wait3A_161 = arith.constant 0 : i32
    %dma_wait3A_162 = tpu.memref_slice %arg5[%dma_wait3A_160, %dma_wait3A_161] : memref<204800x128xf32, #tpu.memory_space<hbm>> -> memref<128x128xf32, #tpu.memory_space<hbm>>
    tpu.wait_dma2 semaphore(%arg23 : memref<!tpu.dma_semaphore, #tpu.memory_space<semaphore_mem>>) src(%arg7 : memref<128x128xf32, #tpu.memory_space<vmem>>) dst(%dma_wait3A_162 : memref<128x128xf32, #tpu.memory_space<hbm>>)
    %dma_wait3A_163 = arith.constant 0 : i32
    %dma_wait3A_164 = arith.constant 0 : i32
    %dma_wait3A_165 = tpu.memref_slice %arg12[%dma_wait3A_163, %dma_wait3A_164] : memref<400x128xf32, #tpu.memory_space<vmem_shared>> -> memref<128x128xf32, #tpu.memory_space<vmem_shared>>
    %dma_wait3A_166 = arith.constant 0 : i32
    %dma_wait3A_167 = arith.constant 0 : i32
    %dma_wait3A_168 = tpu.memref_slice %arg12[%dma_wait3A_166, %dma_wait3A_167] : memref<400x128xf32, #tpu.memory_space<vmem_shared>> -> memref<128x128xf32, #tpu.memory_space<vmem_shared>>
    tpu.wait_dma2 semaphore(%arg17 : memref<!tpu.dma_semaphore, #tpu.memory_space<semaphore_mem>>) src(%dma_wait3A_168 : memref<128x128xf32, #tpu.memory_space<vmem_shared>>) dst(%arg11 : memref<128x128xf32, #tpu.memory_space<vmem>>)
    %add3A_169 = arith.constant 1568 : i32
    %add3A_170 = arith.addi %add3A, %add3A_169 : i32
    %mul3A_171 = arith.constant 128 : i32
    %mul3A_172 = arith.muli %add3A_170, %mul3A_171 : i32
    %run_scoped3A_173 = arith.constant 4 : i32
    "tpu.region"() ({
      %run_scoped3A_250 = tpu.sem_alloc : memref<!tpu.dma_semaphore, #tpu.memory_space<semaphore_mem>>
      %dma_start3A_251 = arith.constant 0 : i32
      %dma_start3A_252 = tpu.memref_slice %arg6[%run_scoped3A_173, %dma_start3A_251] : memref<5x128xi32, #tpu.memory_space<vmem>> -> memref<1x128xi32, #tpu.memory_space<vmem>>
      %dma_start3A_253 = tpu.memref_squeeze %dma_start3A_252 : memref<1x128xi32, #tpu.memory_space<vmem>> -> memref<128xi32, #tpu.memory_space<vmem>>
      %dma_start3A_254 = tpu.memref_slice %arg2[%mul3A_172] : memref<204800xi32, #tpu.memory_space<hbm>> -> memref<128xi32, #tpu.memory_space<hbm>>
      %dma_start3A_255 = arith.constant 0 : i32
      %dma_start3A_256 = tpu.memref_slice %arg6[%run_scoped3A_173, %dma_start3A_255] : memref<5x128xi32, #tpu.memory_space<vmem>> -> memref<1x128xi32, #tpu.memory_space<vmem>>
      %dma_start3A_257 = tpu.memref_squeeze %dma_start3A_256 : memref<1x128xi32, #tpu.memory_space<vmem>> -> memref<128xi32, #tpu.memory_space<vmem>>
      %dma_start3A_258 = tpu.memref_slice %arg2[%mul3A_172] : memref<204800xi32, #tpu.memory_space<hbm>> -> memref<128xi32, #tpu.memory_space<hbm>>
      tpu.enqueue_dma source(%dma_start3A_258 : memref<128xi32, #tpu.memory_space<hbm>>) target(%dma_start3A_257 : memref<128xi32, #tpu.memory_space<vmem>>) target_semaphore(%run_scoped3A_250 : memref<!tpu.dma_semaphore, #tpu.memory_space<semaphore_mem>>)
      %dma_wait3A_259 = arith.constant 0 : i32
      %dma_wait3A_260 = tpu.memref_slice %arg6[%run_scoped3A_173, %dma_wait3A_259] : memref<5x128xi32, #tpu.memory_space<vmem>> -> memref<1x128xi32, #tpu.memory_space<vmem>>
      %dma_wait3A_261 = tpu.memref_squeeze %dma_wait3A_260 : memref<1x128xi32, #tpu.memory_space<vmem>> -> memref<128xi32, #tpu.memory_space<vmem>>
      %dma_wait3A_262 = tpu.memref_slice %arg2[%mul3A_172] : memref<204800xi32, #tpu.memory_space<hbm>> -> memref<128xi32, #tpu.memory_space<hbm>>
      %dma_wait3A_263 = arith.constant 0 : i32
      %dma_wait3A_264 = tpu.memref_slice %arg6[%run_scoped3A_173, %dma_wait3A_263] : memref<5x128xi32, #tpu.memory_space<vmem>> -> memref<1x128xi32, #tpu.memory_space<vmem>>
      %dma_wait3A_265 = tpu.memref_squeeze %dma_wait3A_264 : memref<1x128xi32, #tpu.memory_space<vmem>> -> memref<128xi32, #tpu.memory_space<vmem>>
      %dma_wait3A_266 = tpu.memref_slice %arg2[%mul3A_172] : memref<204800xi32, #tpu.memory_space<hbm>> -> memref<128xi32, #tpu.memory_space<hbm>>
      tpu.wait_dma2 semaphore(%run_scoped3A_250 : memref<!tpu.dma_semaphore, #tpu.memory_space<semaphore_mem>>) src(%dma_wait3A_266 : memref<128xi32, #tpu.memory_space<hbm>>) dst(%dma_wait3A_265 : memref<128xi32, #tpu.memory_space<vmem>>)
      tpu.yield
    }) : () -> ()
    %dma_start3A_174 = arith.constant 4 : i32
    %dma_start3A_175 = arith.constant 0 : i32
    %dma_start3A_176 = tpu.memref_slice %arg6[%dma_start3A_174, %dma_start3A_175] : memref<5x128xi32, #tpu.memory_space<vmem>> -> memref<1x128xi32, #tpu.memory_space<vmem>>
    %dma_start3A_177 = tpu.memref_squeeze %dma_start3A_176 : memref<1x128xi32, #tpu.memory_space<vmem>> -> memref<128xi32, #tpu.memory_space<vmem>>
    %dma_start3A_178 = arith.constant 0 : i32
    %dma_start3A_179 = arith.constant 0 : i32
    %dma_start3A_180 = tpu.memref_slice %arg3[%dma_start3A_178, %dma_start3A_179] : memref<100000x128xf32, #tpu.memory_space<hbm>> -> memref<100000x128xf32, #tpu.memory_space<hbm>>
    tpu.enqueue_indirect_dma source(%dma_start3A_180 : memref<100000x128xf32, #tpu.memory_space<hbm>>) target(%arg11 : memref<128x128xf32, #tpu.memory_space<vmem>>) offsets(%dma_start3A_177 : memref<128xi32, #tpu.memory_space<vmem>>) semaphore(%arg22 : memref<!tpu.dma_semaphore, #tpu.memory_space<semaphore_mem>>) {add = true}
    %dma_wait3A_181 = arith.constant 2 : i32
    %dma_wait3A_182 = arith.constant 0 : i32
    %dma_wait3A_183 = tpu.memref_slice %arg6[%dma_wait3A_181, %dma_wait3A_182] : memref<5x128xi32, #tpu.memory_space<vmem>> -> memref<1x128xi32, #tpu.memory_space<vmem>>
    %dma_wait3A_184 = tpu.memref_squeeze %dma_wait3A_183 : memref<1x128xi32, #tpu.memory_space<vmem>> -> memref<128xi32, #tpu.memory_space<vmem>>
    %dma_wait3A_185 = arith.constant 0 : i32
    %dma_wait3A_186 = arith.constant 0 : i32
    %dma_wait3A_187 = tpu.memref_slice %arg3[%dma_wait3A_185, %dma_wait3A_186] : memref<100000x128xf32, #tpu.memory_space<hbm>> -> memref<100000x128xf32, #tpu.memory_space<hbm>>
    tpu.wait_indirect_dma semaphore(%arg20 : memref<!tpu.dma_semaphore, #tpu.memory_space<semaphore_mem>>) src(%dma_wait3A_187 : memref<100000x128xf32, #tpu.memory_space<hbm>>) dst(%arg9 : memref<128x128xf32, #tpu.memory_space<vmem>>)
    %add3A_188 = arith.constant 1504 : i32
    %add3A_189 = arith.addi %add3A, %add3A_188 : i32
    %mul3A_190 = arith.constant 128 : i32
    %mul3A_191 = arith.muli %add3A_189, %mul3A_190 : i32
    %dma_start3A_192 = arith.constant 0 : i32
    %dma_start3A_193 = tpu.memref_slice %arg5[%mul3A_191, %dma_start3A_192] : memref<204800x128xf32, #tpu.memory_space<hbm>> -> memref<128x128xf32, #tpu.memory_space<hbm>>
    %dma_start3A_194 = arith.constant 0 : i32
    %dma_start3A_195 = tpu.memref_slice %arg5[%mul3A_191, %dma_start3A_194] : memref<204800x128xf32, #tpu.memory_space<hbm>> -> memref<128x128xf32, #tpu.memory_space<hbm>>
    tpu.enqueue_dma source(%arg9 : memref<128x128xf32, #tpu.memory_space<vmem>>) target(%dma_start3A_195 : memref<128x128xf32, #tpu.memory_space<hbm>>) target_semaphore(%arg25 : memref<!tpu.dma_semaphore, #tpu.memory_space<semaphore_mem>>)
    %dma_wait3A_196 = arith.constant 0 : i32
    %dma_wait3A_197 = arith.constant 0 : i32
    %dma_wait3A_198 = tpu.memref_slice %arg5[%dma_wait3A_196, %dma_wait3A_197] : memref<204800x128xf32, #tpu.memory_space<hbm>> -> memref<128x128xf32, #tpu.memory_space<hbm>>
    %dma_wait3A_199 = arith.constant 0 : i32
    %dma_wait3A_200 = arith.constant 0 : i32
    %dma_wait3A_201 = tpu.memref_slice %arg5[%dma_wait3A_199, %dma_wait3A_200] : memref<204800x128xf32, #tpu.memory_space<hbm>> -> memref<128x128xf32, #tpu.memory_space<hbm>>
    tpu.wait_dma2 semaphore(%arg24 : memref<!tpu.dma_semaphore, #tpu.memory_space<semaphore_mem>>) src(%arg8 : memref<128x128xf32, #tpu.memory_space<vmem>>) dst(%dma_wait3A_201 : memref<128x128xf32, #tpu.memory_space<hbm>>)
    %dma_wait3A_202 = arith.constant 3 : i32
    %dma_wait3A_203 = arith.constant 0 : i32
    %dma_wait3A_204 = tpu.memref_slice %arg6[%dma_wait3A_202, %dma_wait3A_203] : memref<5x128xi32, #tpu.memory_space<vmem>> -> memref<1x128xi32, #tpu.memory_space<vmem>>
    %dma_wait3A_205 = tpu.memref_squeeze %dma_wait3A_204 : memref<1x128xi32, #tpu.memory_space<vmem>> -> memref<128xi32, #tpu.memory_space<vmem>>
    %dma_wait3A_206 = arith.constant 0 : i32
    %dma_wait3A_207 = arith.constant 0 : i32
    %dma_wait3A_208 = tpu.memref_slice %arg3[%dma_wait3A_206, %dma_wait3A_207] : memref<100000x128xf32, #tpu.memory_space<hbm>> -> memref<100000x128xf32, #tpu.memory_space<hbm>>
    tpu.wait_indirect_dma semaphore(%arg21 : memref<!tpu.dma_semaphore, #tpu.memory_space<semaphore_mem>>) src(%dma_wait3A_208 : memref<100000x128xf32, #tpu.memory_space<hbm>>) dst(%arg10 : memref<128x128xf32, #tpu.memory_space<vmem>>)
    %add3A_209 = arith.constant 1536 : i32
    %add3A_210 = arith.addi %add3A, %add3A_209 : i32
    %mul3A_211 = arith.constant 128 : i32
    %mul3A_212 = arith.muli %add3A_210, %mul3A_211 : i32
    %dma_start3A_213 = arith.constant 0 : i32
    %dma_start3A_214 = tpu.memref_slice %arg5[%mul3A_212, %dma_start3A_213] : memref<204800x128xf32, #tpu.memory_space<hbm>> -> memref<128x128xf32, #tpu.memory_space<hbm>>
    %dma_start3A_215 = arith.constant 0 : i32
    %dma_start3A_216 = tpu.memref_slice %arg5[%mul3A_212, %dma_start3A_215] : memref<204800x128xf32, #tpu.memory_space<hbm>> -> memref<128x128xf32, #tpu.memory_space<hbm>>
    tpu.enqueue_dma source(%arg10 : memref<128x128xf32, #tpu.memory_space<vmem>>) target(%dma_start3A_216 : memref<128x128xf32, #tpu.memory_space<hbm>>) target_semaphore(%arg26 : memref<!tpu.dma_semaphore, #tpu.memory_space<semaphore_mem>>)
    %dma_wait3A_217 = arith.constant 0 : i32
    %dma_wait3A_218 = arith.constant 0 : i32
    %dma_wait3A_219 = tpu.memref_slice %arg5[%dma_wait3A_217, %dma_wait3A_218] : memref<204800x128xf32, #tpu.memory_space<hbm>> -> memref<128x128xf32, #tpu.memory_space<hbm>>
    %dma_wait3A_220 = arith.constant 0 : i32
    %dma_wait3A_221 = arith.constant 0 : i32
    %dma_wait3A_222 = tpu.memref_slice %arg5[%dma_wait3A_220, %dma_wait3A_221] : memref<204800x128xf32, #tpu.memory_space<hbm>> -> memref<128x128xf32, #tpu.memory_space<hbm>>
    tpu.wait_dma2 semaphore(%arg25 : memref<!tpu.dma_semaphore, #tpu.memory_space<semaphore_mem>>) src(%arg9 : memref<128x128xf32, #tpu.memory_space<vmem>>) dst(%dma_wait3A_222 : memref<128x128xf32, #tpu.memory_space<hbm>>)
    %dma_wait3A_223 = arith.constant 4 : i32
    %dma_wait3A_224 = arith.constant 0 : i32
    %dma_wait3A_225 = tpu.memref_slice %arg6[%dma_wait3A_223, %dma_wait3A_224] : memref<5x128xi32, #tpu.memory_space<vmem>> -> memref<1x128xi32, #tpu.memory_space<vmem>>
    %dma_wait3A_226 = tpu.memref_squeeze %dma_wait3A_225 : memref<1x128xi32, #tpu.memory_space<vmem>> -> memref<128xi32, #tpu.memory_space<vmem>>
    %dma_wait3A_227 = arith.constant 0 : i32
    %dma_wait3A_228 = arith.constant 0 : i32
    %dma_wait3A_229 = tpu.memref_slice %arg3[%dma_wait3A_227, %dma_wait3A_228] : memref<100000x128xf32, #tpu.memory_space<hbm>> -> memref<100000x128xf32, #tpu.memory_space<hbm>>
    tpu.wait_indirect_dma semaphore(%arg22 : memref<!tpu.dma_semaphore, #tpu.memory_space<semaphore_mem>>) src(%dma_wait3A_229 : memref<100000x128xf32, #tpu.memory_space<hbm>>) dst(%arg11 : memref<128x128xf32, #tpu.memory_space<vmem>>)
    %add3A_230 = arith.constant 1568 : i32
    %add3A_231 = arith.addi %add3A, %add3A_230 : i32
    %mul3A_232 = arith.constant 128 : i32
    %mul3A_233 = arith.muli %add3A_231, %mul3A_232 : i32
    %dma_start3A_234 = arith.constant 0 : i32
    %dma_start3A_235 = tpu.memref_slice %arg5[%mul3A_233, %dma_start3A_234] : memref<204800x128xf32, #tpu.memory_space<hbm>> -> memref<128x128xf32, #tpu.memory_space<hbm>>
    %dma_start3A_236 = arith.constant 0 : i32
    %dma_start3A_237 = tpu.memref_slice %arg5[%mul3A_233, %dma_start3A_236] : memref<204800x128xf32, #tpu.memory_space<hbm>> -> memref<128x128xf32, #tpu.memory_space<hbm>>
    tpu.enqueue_dma source(%arg11 : memref<128x128xf32, #tpu.memory_space<vmem>>) target(%dma_start3A_237 : memref<128x128xf32, #tpu.memory_space<hbm>>) target_semaphore(%arg27 : memref<!tpu.dma_semaphore, #tpu.memory_space<semaphore_mem>>)
    %dma_wait3A_238 = arith.constant 0 : i32
    %dma_wait3A_239 = arith.constant 0 : i32
    %dma_wait3A_240 = tpu.memref_slice %arg5[%dma_wait3A_238, %dma_wait3A_239] : memref<204800x128xf32, #tpu.memory_space<hbm>> -> memref<128x128xf32, #tpu.memory_space<hbm>>
    %dma_wait3A_241 = arith.constant 0 : i32
    %dma_wait3A_242 = arith.constant 0 : i32
    %dma_wait3A_243 = tpu.memref_slice %arg5[%dma_wait3A_241, %dma_wait3A_242] : memref<204800x128xf32, #tpu.memory_space<hbm>> -> memref<128x128xf32, #tpu.memory_space<hbm>>
    tpu.wait_dma2 semaphore(%arg26 : memref<!tpu.dma_semaphore, #tpu.memory_space<semaphore_mem>>) src(%arg10 : memref<128x128xf32, #tpu.memory_space<vmem>>) dst(%dma_wait3A_243 : memref<128x128xf32, #tpu.memory_space<hbm>>)
    %dma_wait3A_244 = arith.constant 0 : i32
    %dma_wait3A_245 = arith.constant 0 : i32
    %dma_wait3A_246 = tpu.memref_slice %arg5[%dma_wait3A_244, %dma_wait3A_245] : memref<204800x128xf32, #tpu.memory_space<hbm>> -> memref<128x128xf32, #tpu.memory_space<hbm>>
    %dma_wait3A_247 = arith.constant 0 : i32
    %dma_wait3A_248 = arith.constant 0 : i32
    %dma_wait3A_249 = tpu.memref_slice %arg5[%dma_wait3A_247, %dma_wait3A_248] : memref<204800x128xf32, #tpu.memory_space<hbm>> -> memref<128x128xf32, #tpu.memory_space<hbm>>
    tpu.wait_dma2 semaphore(%arg27 : memref<!tpu.dma_semaphore, #tpu.memory_space<semaphore_mem>>) src(%arg11 : memref<128x128xf32, #tpu.memory_space<vmem>>) dst(%dma_wait3A_249 : memref<128x128xf32, #tpu.memory_space<hbm>>)
    return
  }
}

</mosaic_0001>

<sc_bundles>
// kernel: kernel.3.cloned.1.call-start
scs
__scs_entry_jumppad:
0x0: {  	(pc) =	sbr.rel $0x88, $3  }
0x1: {  	(tag) =	ssettag $0x0;
	lr =	simm.s32 $0x1  }
0x2: {  	[smem:$0x3F9E] =	sst lr;
	_ =	strace $0xD0000000  }
0x3: {  	_ = 	snop  }
0x4: {  	_ = 	snop  }
0x5: {  	_ = 	snop  }
0x6: {  	_ = 	snop  }
0x7: {  	_ = 	snop  }
__scs_overlays_trampoline_lowered:
0x8: {  	[smem:$0x3FAD] =	sst s0  }
0x9: {  	[smem:$0x3FAE] =	sst s1  }
0xa: {  	[smem:$0x3FAF] =	sst s2  }
0xb: {  	[smem:$0x3FB0] =	sst s3  }
0xc: {  	[smem:$0x3FB1] =	sst s4  }
0xd: {  	[smem:$0x3FB2] =	sst s5  }
0xe: {  	[smem:$0x3FB3] =	sst s6  }
0xf: {  	[smem:$0x3FB4] =	sst s7  }
0x10: {  	[smem:$0x3FB5] =	sst s8  }
0x11: {  	[smem:$0x3FB6] =	sst s9;
	s0 =	simm.s32 @!p0 $0x0  }
0x12: {  	s1 =	sld [smem:$0x3F9C];
	s0 =	simm.s32 @p0 $0x1  }
0x13: {  	[smem:$0x3FB7] =	sst s0;
	s0 =	simm.s32 @!p1 $0x0  }
0x14: {  	s2 =	sld [smem:$0x3F9B];
	s0 =	simm.s32 @p1 $0x1  }
0x15: {  	[smem:$0x3FB8] =	sst s0;
	s0 =	simm.s32 @!p2 $0x0  }
0x16: {  	s3 =	sld [smem:$0x3FDB];
	s0 =	simm.s32 @p2 $0x1  }
0x17: {  	s4 =	simm.s32 $0x1BF5;
	[smem:$0x3FBA] =	sst s0  }
0x18: {  	s0 =	sld [smem:$0x3F9D];
	_ =	swait.ge [sflag:s4], $0x0  }
0x19: {  	s7 =	sld [smem:$0x3F9E]  }
0x1a: {  	s8 =	sadd.s32 $0xFFFFE003, lr  }
0x1b: {  	s9 =	sadd.s32 $0xFFFFFEF7, lr;
	s5 =	simm.s32 $0xFFFFFFFF;
	p2 =	slt.u32 s8, $0xFFFFF086  }
0x1c: {  	p1 =	slt.u32 s9, $0xF7A;
	s5 =	simm.s32 @!p2 $0x0  }
0x1d: {  	s5 =	simm.s32 @p1 $0x1;
	p0 =	seq.s32 s7, s2  }
0x1e: {  	s7 =	smul.u32 @!p0 $0xF7A, s2;
	p2 =	seq.s32 @!p0 s5, $0x0  }
0x1f: {  	s9 =	smul.u32 $0xF7A, s1;
	s8 =	simm.s32 @!p0 $0x1BF5;
	p2 =	por !p2, p0  }
0x20: {  	[sflag:s8] =	ssyncset.s32 @!p0 $0xFFFFF086;
	s6 =	sadd.s32 @!p0 s3, s7;
	s7 =	simm.s32 @!p0 $0x108  }
0x21: {  	s3 =	sadd.s32 s3, s9;
	s6 =	sadd.s32 @!p0 $0x88, s6;
	s7 =	simm.s32 @p2 $0x1082  }
0x22: {  	[simem:s7], [sflag:s8] =	dma.local @!p0 [hbm:s6], $0xF7A  }
0x23: {  	s9 =	sor.u32 $0xD0000000, s2;
	s6 =	simm.s32 $0x108;
	_ =	swait.ge @!p0 [sflag:s8], $0x0  }
0x24: {  	s3 =	sadd.s32 $0x88, s3;
	s6 =	simm.s32 @!p1 $0x1082;
	[sflag:s4] =	ssyncset.s32 $0xFFFFF086  }
0x25: {  	[simem:s6], [sflag:s4] =	dma.local [hbm:s3], $0xF7A  }
0x26: {  	[smem:$0x3F9E] =	sst s1;
	(tag) =	ssettag s2;
	_ =	strace s9  }
0x27: {  	s1 =	sld [smem:$0x3FAE]  }
0x28: {  	s2 =	sld [smem:$0x3FAF]  }
0x29: {  	s4 =	sld [smem:$0x3FB1]  }
0x2a: {  	p0 =	seq.s32 s5, $0x0;
	s5 =	sld [smem:$0x3FB2]  }
0x2b: {  	s6 =	sld [smem:$0x3FB3]  }
0x2c: {  	s7 =	sld [smem:$0x3FB4]  }
0x2d: {  	s3 =	simm.s32 $0x108;
	s8 =	sld [smem:$0x3FB5]  }
0x2e: {  	s3 =	simm.s32 @!p0 $0x1082;
	s9 =	sld [smem:$0x3FB6]  }
0x2f: {  	lr =	sadd.s32 s0, s3;
	s0 =	sld [smem:$0x3FAD]  }
0x30: {  	s3 =	sld [smem:$0x3FB0]  }
0x31: {  	[smem:$0x3FB9] =	sst s10  }
0x32: {  	s10 =	sld [smem:$0x3FB7];
	_ =	sdelay $0x3  }
0x33: {  	p0 =	seq.s32 s10, $0x1;
	s10 =	sld [smem:$0x3FB9];
	_ =	sdelay $0x3  }
0x34: {  	[smem:$0x3FB9] =	sst s10  }
0x35: {  	s10 =	sld [smem:$0x3FB8];
	_ =	sdelay $0x3  }
0x36: {  	p1 =	seq.s32 s10, $0x1;
	s10 =	sld [smem:$0x3FB9];
	_ =	sdelay $0x3  }
0x37: {  	[smem:$0x3FB9] =	sst s10  }
0x38: {  	s10 =	sld [smem:$0x3FBA]  }
0x39: {  	_ = 	snop;
	(pc) =	sbr.ind lr, $3  }
0x3a: {  	_ = 	snop  }
0x3b: {  	_ = 	snop  }
0x3c: {  	p2 =	seq.s32 s10, $0x1;
	s10 =	sld [smem:$0x3FB9]  }
0x3d: {  	_ =	shalt  }
0x3e: {  	_ =	shalt  }
0x3f: {  	_ =	shalt  }
0x40: {  	_ =	shalt  }
0x41: {  	_ =	shalt  }
0x42: {  	_ =	shalt  }
0x43: {  	_ =	shalt  }
0x44: {  	_ =	shalt  }
0x45: {  	_ =	shalt  }
0x46: {  	_ =	shalt  }
0x47: {  	_ =	shalt  }
0x48: {  	_ =	shalt  }
0x49: {  	_ =	shalt  }
0x4a: {  	_ =	shalt  }
0x4b: {  	_ =	shalt  }
0x4c: {  	_ =	shalt  }
0x4d: {  	_ =	shalt  }
0x4e: {  	_ =	shalt  }
0x4f: {  	_ =	shalt  }
0x50: {  	_ =	shalt  }
0x51: {  	_ =	shalt  }
0x52: {  	_ =	shalt  }
0x53: {  	_ =	shalt  }
0x54: {  	_ =	shalt  }
0x55: {  	_ =	shalt  }
0x56: {  	_ =	shalt  }
0x57: {  	_ =	shalt  }
0x58: {  	_ =	shalt  }
0x59: {  	_ =	shalt  }
0x5a: {  	_ =	shalt  }
0x5b: {  	_ =	shalt  }
0x5c: {  	_ =	shalt  }
0x5d: {  	_ =	shalt  }
0x5e: {  	_ =	shalt  }
0x5f: {  	_ =	shalt  }
0x60: {  	_ =	shalt  }
0x61: {  	_ =	shalt  }
0x62: {  	_ =	shalt  }
0x63: {  	_ =	shalt  }
0x64: {  	_ =	shalt  }
0x65: {  	_ =	shalt  }
0x66: {  	_ =	shalt  }
0x67: {  	_ =	shalt  }
0x68: {  	_ =	shalt  }
0x69: {  	_ =	shalt  }
0x6a: {  	_ =	shalt  }
0x6b: {  	_ =	shalt  }
0x6c: {  	_ =	shalt  }
0x6d: {  	_ =	shalt  }
0x6e: {  	_ =	shalt  }
0x6f: {  	_ =	shalt  }
0x70: {  	_ =	shalt  }
0x71: {  	_ =	shalt  }
0x72: {  	_ =	shalt  }
0x73: {  	_ =	shalt  }
0x74: {  	_ =	shalt  }
0x75: {  	_ =	shalt  }
0x76: {  	_ =	shalt  }
0x77: {  	_ =	shalt  }
0x78: {  	_ =	shalt  }
0x79: {  	_ =	shalt  }
0x7a: {  	_ =	shalt  }
0x7b: {  	_ =	shalt  }
0x7c: {  	_ =	shalt  }
0x7d: {  	_ =	shalt  }
0x7e: {  	_ =	shalt  }
0x7f: {  	_ =	shalt  }
0x80: {  	_ =	shalt  }
0x81: {  	_ =	shalt  }
0x82: {  	_ =	shalt  }
0x83: {  	_ =	shalt  }
0x84: {  	_ =	shalt  }
0x85: {  	_ =	shalt  }
0x86: {  	_ =	shalt  }
0x87: {  	_ =	shalt  }
.Lfunc_end0:
.L_simem_size_0:
called_computation_lowered:
.L_overlay_start_0:
0x88: {  	s2 =	sld [smem:$0x3FD9]  }
0x89: {  	s3 =	sld [smem:$0x3FFE];
	_ =	sdelay $0x1  }
0x8a: {  	s1 =	srdreg.scid  }
0x8b: {  	s0 =	sand.u32 $0x1, s1  }
0x8c: {  	s17 =	sshll.u32 s0, $0xA;
	s2 =	sadd.s32 s3, s2  }
0x8d: {  	s2 =	sadd.s32 s2, s17  }
0x8e: {  	[smem:$0x3FC5] =	sst s2  }
0x8f: {  	_ = 	snop  }
0x90: {  	s2 =	sld [smem:$0x3FC8]  }
0x91: {  	s18 =	sld [smem:$0x3FC7]  }
0x92: {  	s4 =	sld [smem:$0x3FD0];
	(tm) =	ssettm $0x1  }
0x93: {  	s5 =	sld [smem:$0x3FFB];
	_ =	sdelay $0x3  }
0x94: {  	_ =	strace s5  }
0x95: {  	s5 =	sld [smem:$0x3FFC];
	_ =	sdelay $0x3  }
0x96: {  	_ =	strace s5  }
0x97: {  	s5 =	sld [smem:$0x3FFD];
	_ =	sdelay $0x3  }
0x98: {  	_ =	strace s5  }
0x99: {  	_ =	strace $0x8FFFFFFF  }
0x9a: {  	s19 =	sld [smem:$0x3FDB];
	_ =	sdelay $0x1  }
0x9b: {  	s6 =	simm.s32 $_scs_section_size  }
0x9c: {  	s7 =	simm.s32 $_size__tile_overlayer_lowered;
	s8 =	simm.s32 $_tile_overlayer_lowered  }
0x9d: {  	s22 =	simm.s32 $0x1BFF;
	s21 =	sshll.u32 s8, $0x1;
	s5 =	sadd.s32 s6, s19  }
0x9e: {  	s9 =	simm.s32 $0x0;
	s20 =	sshll.u32 s7, $0x1;
	s7 =	sadd.s32 s21, s5  }
0x9f: {  	[timem:s9], [sflag:s22] =	dma.local [hbm:s7], s20  }
0xa0: {  	_ =	swait.ge [sflag:s22], s20  }
0xa1: {  	s6 =	ssub.s32 $0x0, s20;
	[sflag:s22] =	ssyncset.done $0x0  }
0xa2: {  	[sflag:s22] =	ssyncadd.s32 s6;
	_ =	sdelay $0x1  }
0xa3: {  	s23 =	simm.s32 $0x1B8B  }
0xa4: {  	_ =	swait.ge [sflag:s23], $0x1  }
0xa5: {  	[sflag:s23] =	ssyncset.done $0x0  }
0xa6: {  	s25 =	simm.s32 $0x1B8E;
	s24 =	sld [smem:$0x3FFE];
	[sflag:s23] =	ssyncadd.s32 $0xFFFFFFFF  }
0xa7: {  	s26 =	simm.s32 $execute0_lowered;
	[smem:$0x3FD2] =	sst s25  }
0xa8: {  	s7 =	sshll.u32 s26, $0x1;
	_ =	strace $0x80000046;
	[dreg:$0x1] =	wrdreg $0xFFFFFFFF  }
0xa9: {  	s28 =	simm.s32 $_size_execute0_lowered;
	s5 =	sadd.s32 s5, s7;
	[dreg:$0x0] =	wrdreg $0x0  }
0xaa: {  	s7 =	sshll.u32 s28, $0x1;
	[dreg:$0x2] =	wrdreg s5  }
0xab: {  	[dreg:$0x3] =	wrdreg s7  }
0xac: {  	[dreg:$0x4] =	wrdreg $0xC0  }
0xad: {  	_ =	task [dreg:s9], $0x5FFFF  }
0xae: {  	[dreg:$0x1] =	wrdreg $0xFFFFFFFF  }
0xaf: {  	[dreg:$0x0] =	wrdreg $0x60  }
0xb0: {  	[dreg:$0x2] =	wrdreg s24  }
0xb1: {  	[dreg:$0x3] =	wrdreg s2  }
0xb2: {  	[dreg:$0x4] =	wrdreg s18  }
0xb3: {  	[dreg:$0x5] =	wrdreg s4  }
0xb4: {  	[dreg:$0x6] =	wrdreg $0x144000  }
0xb5: {  	[dreg:$0x7] =	wrdreg $0x9  }
0xb6: {  	_ =	task.clear_ibuf [dreg:s9], $0x8FFFF;
	_ =	strace $0x90000046  }
0xb7: {  	s29 =	simm.s32 $0x9;
	_ =	strace $0x80000048  }
0xb8: {  	_ =	swait.ge [sflag:s29], $0x1  }
0xb9: {  	[sflag:s29] =	ssyncadd.s32 $0xFFFFFFFF  }
0xba: {  	_ =	strace $0x90000048  }
0xbb: {  	_ =	sfence  }
0xbc: {  	s30 =	sld [smem:$0x0];
	_ =	sdelay $0x2  }
0xbd: {  	s31 =	sshll.u32 s1, $0xD;
	s1 =	sshrl.u32 s1, $0x2  }
0xbe: {  	s3 =	sand.u32 $0x4000, s31;
	s1 =	sadd.s32 s1, s30  }
0xbf: {  	s0 =	sor.u32 s3, s0;
	s1 =	sshll.u32 s1, $0x11  }
0xc0: {  	s0 =	sor.u32 s1, s0  }
0xc1: {  	s0 =	sadd.s32 $0x8F2B, s0  }
0xc2: {  	[sflag:s0] =	ssyncadd.remote.s32 $0x1  }
0xc3: {  	_ =	sfence.sel $0xFFFF  }
0xc4: {  	[dreg:$0x0] =	wrdreg $0xFFFFFFFF;
	(pc) =	sbr.abs _section_cstart, $3  }
0xc5: {  	[dreg:$0x1] =	wrdreg $0xFFFFFFFF  }
0xc6: {  	_ =	task.clear_ibuf [dreg:s9], $0x2FFFF;
	_ =	strace $0x9FFFFFFF  }
0xc7: {  	(tm) =	ssettm $0x7FFFFFFF  }
tec
execute0_lowered:
.L_overlay_start_1:
0x0: {  	(tag) =	ssettag $0x1  }
0x1: {  	s5 =	rddreg [dreg:$0x0]  }
0x2: {  	s0 =	rddreg [dreg:$0x1]  }
0x3: {  	s2 =	srdreg.scid;
	s6 =	rddreg [dreg:$0x3]  }
0x4: {  	s1 =	stileid.u32;
	s18 =	rddreg [dreg:$0x4];
	s4 =	simm.s32 $0x0  }
0x5: {  	s28 =	simm.s32 $0x100;
	s3 =	sand.u32 $0x1, s2;
	s30 =	sshll.u32 s1, $0x1  }
0x6: {  	s29 =	simm.s32 $0x1;
	[smem:$0x7FF] =	sst s4;
	s7 =	sor.u32 s3, s30  }
0x7: {  	s15 =	sadd.s32 $0x400, s5;
	s5 =	sadd.s32 $0x6400, s18;
	s2 =	sshll.u32 s7, $0x7  }
0x8: {  	p0 =	sne.s32 s1, $0x0;
	s8 =	smul.u32 $0x28F80, s7;
	s10 =	sor.u32 $0x1000, s2  }
0x9: {  	s31 =	ssub.s32 $0x2, s3;
	s12 =	sor.u32 $0x2000, s2;
	s11 =	smul.u32 $0x147B, s10  }
0xa: {  	_ =	strace $0x80000047;
	s23 =	sor.u32 $0x4000, s2;
	s14 =	smul.u32 $0x147B, s12  }
0xb: {  	s13 =	sshrl.u32 s31, $0x1;
	s8 =	sshrl.u32 s8, $0x12;
	s26 =	smul.u32 $0x147B, s23  }
0xc: {  	s25 =	sshll.u32 s7, $0x4;
	s7 =	sshll.u32 s7, $0xB;
	s9 =	smul.u32 $0xC8, s8  }
0xd: {  	s8 =	ssub.s32 s31, s13;
	s31 =	sshll.u32 s1, $0x11;
	s13 =	sshrl.u32 s11, $0x14  }
0xe: {  	s16 =	sshrl.u32 s14, $0x14;
	s14 =	sor.u32 $0x3000, s2;
	s11 =	smul.u32 $0xC8, s13  }
0xf: {  	s30 =	sshrl.u32 s26, $0x14;
	s9 =	ssub.s32 s2, s9;
	s17 =	smul.u32 $0xC8, s16  }
0x10: {  	s8 =	smax.u32 s8, $0x1;
	s16 =	smul.u32 $0x147B, s14;
	s9 =	sand.u32 $0xFFF8, s9  }
0x11: {  	[dreg:$0x17] =	wrdreg s8;
	s9 =	sshll.u32 s9, $0x7;
	s19 =	ssub.s32 s10, s11  }
0x12: {  	s20 =	ssub.s32 s12, s17;
	s21 =	sshrl.u32 s16, $0x14;
	s10 =	sshrl.u32 s10, $0x3  }
0x13: {  	s17 =	sshll.u32 s3, $0x10;
	s12 =	sshrl.u32 s12, $0x3;
	s9 =	sadd.s32 s9, s18  }
0x14: {  	s11 =	sand.u32 $0xFFF8, s20;
	s13 =	smul.u32 $0xC8, s21;
	s16 =	sor.u32 s17, s31  }
0x15: {  	s10 =	sadd.s32 s15, s10;
	s17 =	sadd.s32 s15, s12;
	s20 =	sshrl.u32 s14, $0x3  }
0x16: {  	s21 =	sor.u32 $0x31000, s2;
	s31 =	sshll.u32 s1, $0xC;
	[dreg:$0xb] =	wrdreg s9  }
0x17: {  	s9 =	sand.u32 $0xFFF8, s19;
	s11 =	sshll.u32 s11, $0x7;
	[dreg:$0xf] =	wrdreg s10  }
0x18: {  	[dreg:$0x10] =	wrdreg s17;
	s19 =	sor.u32 $0x1200000, s16;
	s12 =	sadd.s32 s15, s20  }
0x19: {  	s17 =	sor.u32 $0x9000, s2;
	s9 =	sshll.u32 s9, $0x7;
	s22 =	sadd.s32 s11, s18  }
0x1a: {  	s24 =	ssub.s32 s14, s13;
	s13 =	sadd.s32 s15, s25;
	s10 =	sshrl.u32 s19, $0x2  }
0x1b: {  	[dreg:$0x11] =	wrdreg s12;
	s25 =	sor.u32 $0x1000000, s16;
	s14 =	sadd.s32 s6, s7  }
0x1c: {  	s12 =	sshll.u32 s21, $0x4;
	[dreg:$0x18] =	wrdreg s17;
	s19 =	sor.u32 $0xA00000, s16  }
0x1d: {  	s17 =	simm.s32 $0x400;
	s9 =	sadd.s32 s9, s18;
	[dreg:$0xd] =	wrdreg s22  }
0x1e: {  	s11 =	sand.u32 $0xFFF8, s24;
	[dreg:$0xe] =	wrdreg s13;
	s13 =	smul.u32 $0xC8, s30  }
0x1f: {  	s10 =	sadd.s32 s10, s18;
	s22 =	sshrl.u32 s21, $0x3;
	[dreg:$0x13] =	wrdreg s14  }
0x20: {  	s24 =	sshll.u32 s3, $0x4;
	s12 =	sadd.s32 s6, s12;
	[dreg:$0xc] =	wrdreg s9  }
0x21: {  	s6 =	sadd.s32 s31, s6;
	s3 =	sshll.u32 s3, $0xB;
	[dreg:$0x6] =	wrdreg s10  }
0x22: {  	s21 =	sor.u32 $0x8000, s2;
	s31 =	sadd.s32 $0x300000, s14;
	[dreg:$0x14] =	wrdreg s12  }
0x23: {  	s11 =	sshll.u32 s11, $0x7;
	s12 =	sor.u32 $0xE00000, s16;
	[dreg:$0x1a] =	wrdreg s21  }
0x24: {  	[smem:$0x7FD] =	sst s31;
	s9 =	ssub.s32 s23, s13;
	s13 =	sadd.s32 s15, s22  }
0x25: {  	s3 =	sadd.s32 s3, s6;
	s11 =	sadd.s32 s11, s18;
	[dreg:$0x12] =	wrdreg s13  }
0x26: {  	s23 =	sshll.u32 s1, $0x5;
	s3 =	sadd.s32 $0x30000, s3;
	[dreg:$0x15] =	wrdreg s11  }
0x27: {  	s1 =	sshrl.u32 @!p0 s5, $0x3;
	s10 =	sadd.s32 s23, s15;
	[dreg:$0x1c] =	wrdreg s3  }
0x28: {  	s9 =	sand.u32 $0xFFF8, s9;
	s23 =	sor.u32 $0x7000, s2;
	[dreg:$0x1f] =	wrdreg s1  }
0x29: {  	s13 =	sshrl.u32 s25, $0x2;
	s25 =	sor.u32 $0x5000, s2;
	[dreg:$0x1b] =	wrdreg s23  }
0x2a: {  	s10 =	sadd.s32 s24, s10;
	s30 =	sadd.s32 s13, s18;
	[dreg:$0x1e] =	wrdreg s25  }
0x2b: {  	s26 =	sshll.u32 s9, $0x7;
	s24 =	sor.u32 $0x6000, s2;
	[dreg:$0x7] =	wrdreg s30  }
0x2c: {  	s15 =	sor.u32 $0xC00000, s16;
	s7 =	sadd.s32 s26, s18;
	[dreg:$0x1d] =	wrdreg s24  }
0x2d: {  	s6 =	sshrl.u32 s15, $0x2;
	s20 =	sadd.s32 $0x1000, s10;
	[dreg:$0x16] =	wrdreg s7  }
0x2e: {  	s21 =	simm.s32 $0xF;
	s6 =	sadd.s32 s6, s18;
	[dreg:$0x19] =	wrdreg s20  }
0x2f: {  	s5 =	simm.s32 $0x10;
	s26 =	sadd.s32 $0x2E0000, s14;
	[dreg:$0x9] =	wrdreg s6  }
0x30: {  	s13 =	sshrl.u32 s12, $0x2;
	s30 =	sadd.s32 $0x2F0000, s14;
	[smem:$0x7FB] =	sst s26  }
0x31: {  	s2 =	simm.s32 $0x0;
	s7 =	sadd.s32 s13, s18;
	[smem:$0x7FC] =	sst s30  }
0x32: {  	s10 =	simm.s32 $0x6;
	[dreg:$0x8] =	wrdreg s7;
	s7 =	sshrl.u32 s19, $0x2  }
0x33: {  	s6 =	simm.s32 $0x80;
	s13 =	simm.s32 $0x2;
	s22 =	sadd.s32 s7, s18  }
0x34: {  	s26 =	simm.s32 $0x3;
	[dreg:$0xa] =	wrdreg s22;
	s22 =	simm.s32 $0x1  }
.LBB2_1:
0x35: {  	[smem:$0x7FA] =	sst s2  }
0x36: {  	s1 =	rddreg [dreg:$0x4]  }
0x37: {  	s2 =	simm.s32 @!p0 $0x1C10;
	s3 =	rddreg [dreg:$0x2];
	s1 =	sshrl.u32 @!p0 s1, $0x3  }
0x38: {  	[spmem:s1], [sflag:s2] =	dma.local @!p0 [hbm:s3], $0xC80  }
0x39: {  	s1 =	simm.s32 @!p0 $0x10  }
0x3a: {  	_ =	swait.ge @!p0 [sflag:s1], $0xC80  }
0x3b: {  	[sflag:s1] =	ssyncset.done @!p0 $0x0  }
0x3c: {  	s7 =	rddreg [dreg:$0x1f];
	[sflag:s1] =	ssyncadd.s32 @!p0 $0xFFFFF380  }
0x3d: {  	[spmem:s7], [sflag:s2] =	dma.local @!p0 [hbm:s3], $0xC80  }
0x3e: {  	_ =	swait.ge @!p0 [sflag:s1], $0xC80  }
0x3f: {  	[sflag:s1] =	ssyncset.done @!p0 $0x0  }
0x40: {  	[sflag:s1] =	ssyncadd.s32 @!p0 $0xFFFFF380  }
0x41: {  	[bflag:$0x0] =	sbarrier.arrive $0xFFFF  }
0x42: {  	s23 =	rddreg [dreg:$0xb]  }
0x43: {  	[tilespmem:s17], [sflag:$0x1] =	stream.linear.gather [spmem:s23], $0x4000, $0x38;
	[tilespmem:$0x15080] =	vst v63  }
0x44: {  	s15 =	simm.s32 $0x4400;
	s24 =	rddreg [dreg:$0xc]  }
0x45: {  	[tilespmem:s15], [sflag:$0x2] =	stream.linear.gather [spmem:s24], $0x4000, $0x38;
	[tilespmem:$0x15080] =	vst v63  }
0x46: {  	s16 =	simm.s32 $0x8400;
	s25 =	rddreg [dreg:$0xd]  }
0x47: {  	[tilespmem:s16], [sflag:$0x3] =	stream.linear.gather [spmem:s25], $0x4000, $0x38;
	[tilespmem:$0x15080] =	vst v63  }
0x48: {  	s19 =	simm.s32 $0xC400;
	s2 =	rddreg [dreg:$0x15]  }
0x49: {  	[tilespmem:s19], [sflag:$0x4] =	stream.linear.gather [spmem:s2], $0x4000, $0x38;
	[tilespmem:$0x15080] =	vst v63  }
0x4a: {  	_ =	swait.ge [sflag:s22], $0x4000  }
0x4b: {  	[sflag:s22] =	ssyncset.done $0x0  }
0x4c: {  	s3 =	rddreg [dreg:$0xe];
	[sflag:s22] =	ssyncadd.s32 $0xFFFFC000  }
0x4d: {  	[tilespmem:s4], [sflag:$0x10] =	stream.linear.gather [hbm4b:s3+s4], $0x80, $0x38;
	[tilespmem:$0x15080] =	vst v63  }
0x4e: {  	_ =	swait.ge [sflag:s5], $0x80  }
0x4f: {  	[sflag:s5] =	ssyncset.done $0x0  }
0x50: {  	[sflag:s5] =	ssyncadd.s32 $0xFFFFFF80  }
0x51: {  	[tilespmem:s17], [sflag:$0x6] =	stream.indirect.gather.add.f32 [hbm:s0], $0x80, s4, s6, $0xb8;
	[tilespmem:$0x15080] =	vst v63  }
0x52: {  	_ =	swait.ge [sflag:s13], $0x4000  }
0x53: {  	[sflag:s13] =	ssyncset.done $0x0  }
0x54: {  	s7 =	rddreg [dreg:$0xf];
	[sflag:s13] =	ssyncadd.s32 $0xFFFFC000  }
0x55: {  	[tilespmem:s6], [sflag:$0x10] =	stream.linear.gather [hbm4b:s7+s4], $0x80, $0x38;
	[tilespmem:$0x15080] =	vst v63  }
0x56: {  	_ =	swait.ge [sflag:s5], $0x80  }
0x57: {  	[sflag:s5] =	ssyncset.done $0x0  }
0x58: {  	[sflag:s5] =	ssyncadd.s32 $0xFFFFFF80  }
0x59: {  	[tilespmem:s15], [sflag:$0x7] =	stream.indirect.gather.add.f32 [hbm:s0], $0x80, s6, s6, $0xb8;
	[tilespmem:$0x15080] =	vst v63  }
0x5a: {  	_ =	swait.ge [sflag:s26], $0x4000  }
0x5b: {  	[sflag:s26] =	ssyncset.done $0x0  }
0x5c: {  	s8 =	rddreg [dreg:$0x10];
	[sflag:s26] =	ssyncadd.s32 $0xFFFFC000  }
0x5d: {  	[tilespmem:s28], [sflag:$0x10] =	stream.linear.gather [hbm4b:s8+s4], $0x80, $0x38;
	[tilespmem:$0x15080] =	vst v63  }
0x5e: {  	_ =	swait.ge [sflag:s5], $0x80  }
0x5f: {  	[sflag:s5] =	ssyncset.done $0x0  }
0x60: {  	[sflag:s5] =	ssyncadd.s32 $0xFFFFFF80  }
0x61: {  	[tilespmem:s16], [sflag:$0x8] =	stream.indirect.gather.add.f32 [hbm:s0], $0x80, s28, s6, $0xb8;
	[tilespmem:$0x15080] =	vst v63  }
0x62: {  	_ =	swait.ge [sflag:s10], $0x4000  }
0x63: {  	[sflag:s10] =	ssyncset.done $0x0  }
0x64: {  	s9 =	rddreg [dreg:$0x13];
	[sflag:s10] =	ssyncadd.s32 $0xFFFFC000  }
0x65: {  	[hbm4b:s9+s4] =	stream.linear.scatter [tilespmem:s17], [sflag:$0xB], $0x4000, $0x38;
	[tilespmem:$0x15080] =	vst v63  }
0x66: {  	s18 =	simm.s32 $0x10400;
	s11 =	simm.s32 $0x4;
	s10 =	rddreg [dreg:$0x16]  }
0x67: {  	[tilespmem:s18], [sflag:$0x5] =	stream.linear.gather [spmem:s10], $0x4000, $0x38;
	[tilespmem:$0x15080] =	vst v63  }
0x68: {  	_ =	swait.ge [sflag:s11], $0x4000  }
0x69: {  	[sflag:s11] =	ssyncset.done $0x0  }
0x6a: {  	s14 =	simm.s32 $0x180;
	s12 =	rddreg [dreg:$0x11];
	[sflag:s11] =	ssyncadd.s32 $0xFFFFC000  }
0x6b: {  	[tilespmem:s14], [sflag:$0x10] =	stream.linear.gather [hbm4b:s12+s4], $0x80, $0x38;
	[tilespmem:$0x15080] =	vst v63  }
0x6c: {  	_ =	swait.ge [sflag:s5], $0x80  }
0x6d: {  	s1 =	rddreg [dreg:$0x6]  }
0x6e: {  	[sflag:s5] =	ssyncset.done $0x0;
	s3 =	rddreg [dreg:$0x9]  }
0x6f: {  	s2 =	rddreg [dreg:$0x7];
	[sflag:s5] =	ssyncadd.s32 $0xFFFFFF80  }
0x70: {  	[tilespmem:s19], [sflag:$0x9] =	stream.indirect.gather.add.f32 [hbm:s0], $0x80, s14, s6, $0xb8;
	[tilespmem:$0x15080] =	vst v63  }
0x71: {  	s14 =	rddreg [dreg:$0x1e]  }
0x72: {  	s12 =	simm.s32 $0x7;
	s7 =	rddreg [dreg:$0x8];
	s8 =	smulhi.u32 $0x51EB851F, s14  }
0x73: {  	s23 =	simm.s32 $0xB;
	s9 =	rddreg [dreg:$0xa];
	_ =	swait.ge [sflag:s12], $0x4000  }
0x74: {  	[sflag:s12] =	ssyncset.done $0x0;
	s11 =	rddreg [dreg:$0x1c];
	s8 =	sshrl.u32 s8, $0x6  }
0x75: {  	s20 =	sadd.s32 $0xFFFE0000, s11;
	[sflag:s12] =	ssyncadd.s32 $0xFFFFC000;
	s8 =	smul.u32 $0xFFFE7000, s8  }
0x76: {  	[hbm4b:s20+s4] =	stream.linear.scatter [tilespmem:s15], [sflag:$0xC], $0x4000, $0x38;
	[tilespmem:$0x15080] =	vst v63  }
0x77: {  	_ =	swait.ge [sflag:s23], $0x4000;
	s8 =	sshra.s32 s8, $0x2  }
0x78: {  	[sflag:s23] =	ssyncset.done $0x0;
	s8 =	sadd.s32 s8, s9  }
0x79: {  	s24 =	simm.s32 $0x5;
	[sflag:s23] =	ssyncadd.s32 $0xFFFFC000;
	s8 =	sadd.s32 $0x0, s8  }
0x7a: {  	[tilespmem:s17], [sflag:$0x1] =	stream.linear.gather [spmem:s8], $0x4000, $0x38;
	[tilespmem:$0x15080] =	vst v63  }
0x7b: {  	_ =	swait.ge [sflag:s24], $0x4000  }
0x7c: {  	[sflag:s24] =	ssyncset.done $0x0;
	s31 =	rddreg [dreg:$0x19]  }
0x7d: {  	s10 =	simm.s32 $0x200;
	s25 =	sadd.s32 $0xFFFFF800, s31;
	[sflag:s24] =	ssyncadd.s32 $0xFFFFC000  }
0x7e: {  	[tilespmem:s10], [sflag:$0x10] =	stream.linear.gather [hbm4b:s25+s4], $0x80, $0x38;
	[tilespmem:$0x15080] =	vst v63  }
0x7f: {  	_ =	swait.ge [sflag:s5], $0x80  }
0x80: {  	[sflag:s5] =	ssyncset.done $0x0;
	s12 =	rddreg [dreg:$0x1d]  }
0x81: {  	s24 =	simm.s32 $0x8;
	s20 =	smulhi.u32 $0x51EB851F, s12;
	[sflag:s5] =	ssyncadd.s32 $0xFFFFFF80  }
0x82: {  	[tilespmem:s18], [sflag:$0xA] =	stream.indirect.gather.add.f32 [hbm:s0], $0x80, s10, s6, $0xb8;
	[tilespmem:$0x15080] =	vst v63  }
0x83: {  	_ =	swait.ge [sflag:s24], $0x4000  }
0x84: {  	s25 =	sadd.s32 $0xFFFF0000, s11;
	s8 =	sshrl.u32 s20, $0x6;
	[sflag:s24] =	ssyncset.done $0x0  }
0x85: {  	s10 =	simm.s32 $0xC;
	s8 =	smul.u32 $0xFFFE7000, s8;
	[sflag:s24] =	ssyncadd.s32 $0xFFFFC000  }
0x86: {  	[hbm4b:s25+s4] =	stream.linear.scatter [tilespmem:s16], [sflag:$0xD], $0x4000, $0x38;
	[tilespmem:$0x15080] =	vst v63  }
0x87: {  	s8 =	sshra.s32 s8, $0x2;
	_ =	swait.ge [sflag:s10], $0x4000  }
0x88: {  	s3 =	sadd.s32 s8, s3;
	[sflag:s10] =	ssyncset.done $0x0  }
0x89: {  	s3 =	sadd.s32 $0x0, s3;
	[sflag:s10] =	ssyncadd.s32 $0xFFFFC000  }
0x8a: {  	[tilespmem:s15], [sflag:$0x2] =	stream.linear.gather [spmem:s3], $0x4000, $0x38;
	[tilespmem:$0x15080] =	vst v63  }
0x8b: {  	_ =	swait.ge [sflag:s22], $0x4000  }
0x8c: {  	[sflag:s22] =	ssyncset.done $0x0  }
0x8d: {  	s20 =	sadd.s32 $0xFFFFFA00, s31;
	[sflag:s22] =	ssyncadd.s32 $0xFFFFC000  }
0x8e: {  	[tilespmem:s4], [sflag:$0x10] =	stream.linear.gather [hbm4b:s20+s4], $0x80, $0x38;
	[tilespmem:$0x15080] =	vst v63  }
0x8f: {  	_ =	swait.ge [sflag:s5], $0x80  }
0x90: {  	[sflag:s5] =	ssyncset.done $0x0;
	s10 =	rddreg [dreg:$0x1b]  }
0x91: {  	s24 =	simm.s32 $0x9;
	s22 =	smulhi.u32 $0x51EB851F, s10;
	[sflag:s5] =	ssyncadd.s32 $0xFFFFFF80  }
0x92: {  	[tilespmem:s17], [sflag:$0x6] =	stream.indirect.gather.add.f32 [hbm:s0], $0x80, s4, s6, $0xb8;
	[tilespmem:$0x15080] =	vst v63  }
0x93: {  	_ =	swait.ge [sflag:s24], $0x4000  }
0x94: {  	s3 =	sshrl.u32 s22, $0x6;
	[sflag:s24] =	ssyncset.done $0x0  }
0x95: {  	s25 =	simm.s32 $0xD;
	s3 =	smul.u32 $0xFFFE7000, s3;
	[sflag:s24] =	ssyncadd.s32 $0xFFFFC000  }
0x96: {  	[hbm4b:s11+s4] =	stream.linear.scatter [tilespmem:s19], [sflag:$0xE], $0x4000, $0x38;
	[tilespmem:$0x15080] =	vst v63  }
0x97: {  	s3 =	sshra.s32 s3, $0x2;
	_ =	swait.ge [sflag:s25], $0x4000  }
0x98: {  	s3 =	sadd.s32 s3, s7;
	[sflag:s25] =	ssyncset.done $0x0  }
0x99: {  	s3 =	sadd.s32 $0x0, s3;
	[sflag:s25] =	ssyncadd.s32 $0xFFFFC000  }
0x9a: {  	[tilespmem:s16], [sflag:$0x3] =	stream.linear.gather [spmem:s3], $0x4000, $0x38;
	[tilespmem:$0x15080] =	vst v63  }
0x9b: {  	_ =	swait.ge [sflag:s13], $0x4000  }
0x9c: {  	[sflag:s13] =	ssyncset.done $0x0  }
0x9d: {  	s9 =	sadd.s32 $0xFFFFFC00, s31;
	[sflag:s13] =	ssyncadd.s32 $0xFFFFC000  }
0x9e: {  	[tilespmem:s6], [sflag:$0x10] =	stream.linear.gather [hbm4b:s9+s4], $0x80, $0x38;
	[tilespmem:$0x15080] =	vst v63  }
0x9f: {  	_ =	swait.ge [sflag:s5], $0x80  }
0xa0: {  	[sflag:s5] =	ssyncset.done $0x0  }
0xa1: {  	s8 =	rddreg [dreg:$0x1a];
	[sflag:s5] =	ssyncadd.s32 $0xFFFFFF80  }
0xa2: {  	[tilespmem:s15], [sflag:$0x7] =	stream.indirect.gather.add.f32 [hbm:s0], $0x80, s6, s6, $0xb8;
	[tilespmem:$0x15080] =	vst v63  }
0xa3: {  	s13 =	smulhi.u32 $0x51EB851F, s8;
	s15 =	simm.s32 $0xA  }
0xa4: {  	_ =	swait.ge [sflag:s15], $0x4000  }
0xa5: {  	s20 =	sadd.s32 $0x10000, s11;
	s3 =	sshrl.u32 s13, $0x6;
	[sflag:s15] =	ssyncset.done $0x0  }
0xa6: {  	s22 =	simm.s32 $0xE;
	s3 =	smul.u32 $0xFFFE7000, s3;
	[sflag:s15] =	ssyncadd.s32 $0xFFFFC000  }
0xa7: {  	[hbm4b:s20+s4] =	stream.linear.scatter [tilespmem:s18], [sflag:$0xF], $0x4000, $0x38;
	[tilespmem:$0x15080] =	vst v63  }
0xa8: {  	s3 =	sshra.s32 s3, $0x2;
	_ =	swait.ge [sflag:s22], $0x4000  }
0xa9: {  	s2 =	sadd.s32 s3, s2;
	[sflag:s22] =	ssyncset.done $0x0  }
0xaa: {  	s2 =	sadd.s32 $0x0, s2;
	[sflag:s22] =	ssyncadd.s32 $0xFFFFC000  }
0xab: {  	[tilespmem:s19], [sflag:$0x4] =	stream.linear.gather [spmem:s2], $0x4000, $0x38;
	[tilespmem:$0x15080] =	vst v63  }
0xac: {  	s30 =	rddreg [dreg:$0x18];
	_ =	swait.ge [sflag:s26], $0x4000  }
0xad: {  	s23 =	simm.s32 $0x6;
	s25 =	sadd.s32 $0xFFFFFE00, s31;
	[sflag:s26] =	ssyncset.done $0x0  }
0xae: {  	s9 =	sadd.s32 $0x5000, s14;
	s24 =	smulhi.u32 $0x51EB851F, s30;
	[sflag:s26] =	ssyncadd.s32 $0xFFFFC000  }
0xaf: {  	[tilespmem:s28], [sflag:$0x10] =	stream.linear.gather [hbm4b:s25+s4], $0x80, $0x38;
	[tilespmem:$0x15080] =	vst v63  }
0xb0: {  	s14 =	sadd.s32 $0x5000, s8;
	s13 =	simm.s32 $0x2;
	_ =	swait.ge [sflag:s5], $0x80  }
0xb1: {  	s22 =	sadd.s32 $0xA00, s31;
	s2 =	sshrl.u32 s24, $0x6;
	[sflag:s5] =	ssyncset.done $0x0  }
0xb2: {  	s19 =	sadd.s32 $0x5000, s12;
	s2 =	smul.u32 $0xFFFE7000, s2;
	[sflag:s5] =	ssyncadd.s32 $0xFFFFFF80  }
0xb3: {  	[tilespmem:s16], [sflag:$0x8] =	stream.indirect.gather.add.f32 [hbm:s0], $0x80, s28, s6, $0xb8;
	[tilespmem:$0x15080] =	vst v63  }
0xb4: {  	s24 =	simm.s32 $0xA00000;
	s26 =	simm.s32 $0x6;
	_ =	swait.ge [sflag:s23], $0x4000  }
0xb5: {  	s2 =	sshra.s32 s2, $0x2;
	s25 =	sadd.s32 $0x5000, s10;
	[sflag:s23] =	ssyncset.done $0x0  }
0xb6: {  	s1 =	sadd.s32 s2, s1;
	s28 =	sadd.s32 $0x20000, s11;
	[sflag:s26] =	ssyncadd.s32 $0xFFFFC000  }
0xb7: {  	[hbm4b:s28+s4] =	stream.linear.scatter [tilespmem:s17], [sflag:$0xB], $0x4000, $0x38;
	[tilespmem:$0x15080] =	vst v63  }
0xb8: {  	s3 =	sadd.s32 $0x0, s1;
	s23 =	sadd.s32 $0x50000, s11;
	_ =	swait.ge [sflag:s21], $0x4000  }
.LBB2_2:
0xb9: {  	s1 =	smulhi.u32 $0x51EB851F, s9;
	[sflag:s21] =	ssyncset.done $0x0  }
0xba: {  	s18 =	simm.s32 $0x10400;
	s12 =	simm.s32 $0x4;
	[sflag:s21] =	ssyncadd.s32 $0xFFFFC000  }
0xbb: {  	[tilespmem:s18], [sflag:$0x5] =	stream.linear.gather [spmem:s3], $0x4000, $0x38;
	[tilespmem:$0x15080] =	vst v63  }
0xbc: {  	s30 =	sadd.s32 $0x5000, s30;
	s15 =	smulhi.u32 $0x51EB851F, s14;
	_ =	swait.ge [sflag:s12], $0x4000  }
0xbd: {  	s10 =	smov.u32 s24;
	s8 =	smulhi.u32 $0x51EB851F, s25;
	[sflag:s12] =	ssyncset.done $0x0  }
0xbe: {  	s26 =	simm.s32 $0x180;
	s7 =	smulhi.u32 $0x51EB851F, s30;
	[sflag:s12] =	ssyncadd.s32 $0xFFFFC000  }
0xbf: {  	[tilespmem:s26], [sflag:$0x10] =	stream.linear.gather [hbm4b:s31+s4], $0x80, $0x38;
	[tilespmem:$0x15080] =	vst v63  }
0xc0: {  	s28 =	simm.s32 $0xC400;
	s20 =	sadd.s32 $0xFFFE0000, s23;
	_ =	swait.ge [sflag:s5], $0x80  }
0xc1: {  	s3 =	sshrl.u32 s15, $0x6;
	s16 =	sshrl.u32 s7, $0x6;
	s15 =	rddreg [dreg:$0x6]  }
0xc2: {  	s7 =	sshrl.u32 s8, $0x6;
	[sflag:s5] =	ssyncset.done $0x0;
	s12 =	rddreg [dreg:$0x9]  }
0xc3: {  	s17 =	smul.u32 $0xFFFE7000, s16;
	s16 =	rddreg [dreg:$0x7];
	[sflag:s5] =	ssyncadd.s32 $0xFFFFFF80  }
0xc4: {  	[tilespmem:s28], [sflag:$0x9] =	stream.indirect.gather.add.f32 [hbm:s0], $0x80, s26, s6, $0xb8;
	[tilespmem:$0x15080] =	vst v63  }
0xc5: {  	s8 =	sshra.s32 s17, $0x2;
	s17 =	rddreg [dreg:$0xa];
	s26 =	simm.s32 $0x7  }
0xc6: {  	s15 =	sadd.s32 s8, s15;
	s8 =	rddreg [dreg:$0x8];
	_ =	swait.ge [sflag:s26], $0x4000  }
0xc7: {  	s1 =	sshrl.u32 s1, $0x6;
	s3 =	smul.u32 $0xFFFE7000, s3;
	[sflag:s26] =	ssyncset.done $0x0  }
0xc8: {  	s1 =	smul.u32 $0xFFFE7000, s1;
	[sflag:s26] =	ssyncadd.s32 $0xFFFFC000;
	s26 =	simm.s32 $0x4400  }
0xc9: {  	[hbm4b:s20+s4] =	stream.linear.scatter [tilespmem:s26], [sflag:$0xC], $0x4000, $0x38;
	[tilespmem:$0x15080] =	vst v63  }
0xca: {  	s10 =	sshra.s32 s10, $0x2;
	s3 =	sshra.s32 s3, $0x2;
	s20 =	simm.s32 $0xB  }
0xcb: {  	s1 =	sshra.s32 s1, $0x2;
	s3 =	sadd.s32 s3, s16;
	_ =	swait.ge [sflag:s20], $0x4000  }
0xcc: {  	s16 =	sadd.s32 s1, s17;
	s17 =	simm.s32 $0x400;
	[sflag:s20] =	ssyncset.done $0x0  }
0xcd: {  	s16 =	sadd.s32 s10, s16;
	[sflag:s20] =	ssyncadd.s32 $0xFFFFC000;
	s20 =	simm.s32 $0x5  }
0xce: {  	[tilespmem:s17], [sflag:$0x1] =	stream.linear.gather [spmem:s16], $0x4000, $0x38;
	[tilespmem:$0x15080] =	vst v63  }
0xcf: {  	s11 =	smulhi.u32 $0x51EB851F, s19;
	_ =	swait.ge [sflag:s20], $0x4000  }
0xd0: {  	s1 =	sadd.s32 s10, s3;
	s3 =	sadd.s32 s10, s15;
	[sflag:s20] =	ssyncset.done $0x0  }
0xd1: {  	s15 =	sadd.s32 $0xFFFFF800, s22;
	[sflag:s20] =	ssyncadd.s32 $0xFFFFC000;
	s20 =	simm.s32 $0x200  }
0xd2: {  	[tilespmem:s20], [sflag:$0x10] =	stream.linear.gather [hbm4b:s15+s4], $0x80, $0x38;
	[tilespmem:$0x15080] =	vst v63  }
0xd3: {  	_ =	swait.ge [sflag:s5], $0x80  }
0xd4: {  	s11 =	sshrl.u32 s11, $0x6;
	[sflag:s5] =	ssyncset.done $0x0  }
0xd5: {  	s11 =	smul.u32 $0xFFFE7000, s11;
	[sflag:s5] =	ssyncadd.s32 $0xFFFFFF80  }
0xd6: {  	[tilespmem:s18], [sflag:$0xA] =	stream.indirect.gather.add.f32 [hbm:s0], $0x80, s20, s6, $0xb8;
	[tilespmem:$0x15080] =	vst v63  }
0xd7: {  	s20 =	simm.s32 $0x8  }
0xd8: {  	s11 =	sshra.s32 s11, $0x2;
	_ =	swait.ge [sflag:s20], $0x4000  }
0xd9: {  	s11 =	sadd.s32 s11, s12;
	s12 =	simm.s32 $0x8400;
	[sflag:s20] =	ssyncset.done $0x0  }
0xda: {  	s16 =	sadd.s32 $0xFFFF0000, s23;
	[sflag:s20] =	ssyncadd.s32 $0xFFFFC000;
	s20 =	simm.s32 $0xC  }
0xdb: {  	[hbm4b:s16+s4] =	stream.linear.scatter [tilespmem:s12], [sflag:$0xD], $0x4000, $0x38;
	[tilespmem:$0x15080] =	vst v63  }
0xdc: {  	_ =	swait.ge [sflag:s20], $0x4000  }
0xdd: {  	[sflag:s20] =	ssyncset.done $0x0  }
0xde: {  	s11 =	sadd.s32 s10, s11;
	[sflag:s20] =	ssyncadd.s32 $0xFFFFC000  }
0xdf: {  	[tilespmem:s26], [sflag:$0x2] =	stream.linear.gather [spmem:s11], $0x4000, $0x38;
	[tilespmem:$0x15080] =	vst v63  }
0xe0: {  	_ =	swait.ge [sflag:s29], $0x4000  }
0xe1: {  	[sflag:s29] =	ssyncset.done $0x0  }
0xe2: {  	s15 =	sadd.s32 $0xFFFFFA00, s22;
	[sflag:s29] =	ssyncadd.s32 $0xFFFFC000  }
0xe3: {  	[tilespmem:s4], [sflag:$0x10] =	stream.linear.gather [hbm4b:s15+s4], $0x80, $0x38;
	[tilespmem:$0x15080] =	vst v63  }
0xe4: {  	_ =	swait.ge [sflag:s5], $0x80  }
0xe5: {  	[sflag:s5] =	ssyncset.done $0x0  }
0xe6: {  	s16 =	simm.s32 $0x9;
	[sflag:s5] =	ssyncadd.s32 $0xFFFFFF80  }
0xe7: {  	[tilespmem:s17], [sflag:$0x6] =	stream.indirect.gather.add.f32 [hbm:s0], $0x80, s4, s6, $0xb8;
	[tilespmem:$0x15080] =	vst v63  }
0xe8: {  	_ =	swait.ge [sflag:s16], $0x4000  }
0xe9: {  	[sflag:s16] =	ssyncset.done $0x0  }
0xea: {  	s7 =	smul.u32 $0xFFFE7000, s7;
	s20 =	simm.s32 $0xD;
	[sflag:s16] =	ssyncadd.s32 $0xFFFFC000  }
0xeb: {  	[hbm4b:s23+s4] =	stream.linear.scatter [tilespmem:s28], [sflag:$0xE], $0x4000, $0x38;
	[tilespmem:$0x15080] =	vst v63  }
0xec: {  	s7 =	sshra.s32 s7, $0x2;
	_ =	swait.ge [sflag:s20], $0x4000  }
0xed: {  	s7 =	sadd.s32 s7, s8;
	[sflag:s20] =	ssyncset.done $0x0  }
0xee: {  	s7 =	sadd.s32 s10, s7;
	[sflag:s20] =	ssyncadd.s32 $0xFFFFC000  }
0xef: {  	[tilespmem:s12], [sflag:$0x3] =	stream.linear.gather [spmem:s7], $0x4000, $0x38;
	[tilespmem:$0x15080] =	vst v63  }
0xf0: {  	_ =	swait.ge [sflag:s13], $0x4000  }
0xf1: {  	[sflag:s13] =	ssyncset.done $0x0  }
0xf2: {  	s10 =	sadd.s32 $0xFFFFFC00, s22;
	[sflag:s13] =	ssyncadd.s32 $0xFFFFC000  }
0xf3: {  	[tilespmem:s6], [sflag:$0x10] =	stream.linear.gather [hbm4b:s10+s4], $0x80, $0x38;
	[tilespmem:$0x15080] =	vst v63  }
0xf4: {  	_ =	swait.ge [sflag:s5], $0x80  }
0xf5: {  	[sflag:s5] =	ssyncset.done $0x0  }
0xf6: {  	s11 =	simm.s32 $0xA;
	[sflag:s5] =	ssyncadd.s32 $0xFFFFFF80  }
0xf7: {  	[tilespmem:s26], [sflag:$0x7] =	stream.indirect.gather.add.f32 [hbm:s0], $0x80, s6, s6, $0xb8;
	[tilespmem:$0x15080] =	vst v63  }
0xf8: {  	_ =	swait.ge [sflag:s11], $0x4000  }
0xf9: {  	[sflag:s11] =	ssyncset.done $0x0  }
0xfa: {  	s15 =	sadd.s32 $0x10000, s23;
	s16 =	simm.s32 $0xE;
	[sflag:s11] =	ssyncadd.s32 $0xFFFFC000  }
0xfb: {  	[hbm4b:s15+s4] =	stream.linear.scatter [tilespmem:s18], [sflag:$0xF], $0x4000, $0x38;
	[tilespmem:$0x15080] =	vst v63  }
0xfc: {  	_ =	swait.ge [sflag:s16], $0x4000  }
0xfd: {  	[sflag:s16] =	ssyncset.done $0x0  }
0xfe: {  	s26 =	simm.s32 $0x3;
	[sflag:s16] =	ssyncadd.s32 $0xFFFFC000  }
0xff: {  	[tilespmem:s28], [sflag:$0x4] =	stream.linear.gather [spmem:s1], $0x4000, $0x38;
	[tilespmem:$0x15080] =	vst v63  }
0x100: {  	_ =	swait.ge [sflag:s26], $0x4000  }
0x101: {  	s2 =	smov.u32 s23;
	[sflag:s26] =	ssyncset.done $0x0  }
0x102: {  	s18 =	sadd.s32 $0xFFFFFE00, s22;
	s28 =	simm.s32 $0x100;
	[sflag:s26] =	ssyncadd.s32 $0xFFFFC000  }
0x103: {  	[tilespmem:s28], [sflag:$0x10] =	stream.linear.gather [hbm4b:s18+s4], $0x80, $0x38;
	[tilespmem:$0x15080] =	vst v63  }
0x104: {  	p1 =	sne.s32 s24, $0x5000000;
	s24 =	sadd.s32 $0xA00000, s24;
	_ =	swait.ge [sflag:s5], $0x80  }
0x105: {  	s19 =	sadd.s32 $0x5000, s19;
	s9 =	sadd.s32 $0x5000, s9;
	[sflag:s5] =	ssyncset.done $0x0  }
0x106: {  	s14 =	sadd.s32 $0x5000, s14;
	s10 =	simm.s32 $0x6;
	[sflag:s5] =	ssyncadd.s32 $0xFFFFFF80  }
0x107: {  	[tilespmem:s12], [sflag:$0x8] =	stream.indirect.gather.add.f32 [hbm:s0], $0x80, s28, s6, $0xb8;
	[tilespmem:$0x15080] =	vst v63  }
.Ltmp0:
0x108: {  	s25 =	sadd.s32 $0x5000, s25;
	_ =	swait.ge [sflag:s10], $0x4000;
	(pc) =	sbr.rel @p1 .LBB2_2-.Ltmp0, $4  }
0x109: {  	s31 =	smov.u32 s22;
	s8 =	simm.s32 $0x4400;
	[sflag:s10] =	ssyncset.done $0x0  }
0x10a: {  	s23 =	sadd.s32 $0x50000, s23;
	s20 =	sadd.s32 $0x20000, s2;
	[sflag:s10] =	ssyncadd.s32 $0xFFFFC000  }
0x10b: {  	[hbm4b:s20+s4] =	stream.linear.scatter [tilespmem:s17], [sflag:$0xB], $0x4000, $0x38;
	[tilespmem:$0x15080] =	vst v63  }
0x10c: {  	s7 =	simm.s32 $0x8400;
	s22 =	sadd.s32 $0xA00, s22;
	_ =	swait.ge [sflag:s21], $0x4000  }
0x10d: {  	[sflag:s21] =	ssyncset.done $0x0  }
0x10e: {  	s9 =	simm.s32 $0x10400;
	s1 =	simm.s32 $0x4;
	[sflag:s21] =	ssyncadd.s32 $0xFFFFC000  }
0x10f: {  	[tilespmem:s9], [sflag:$0x5] =	stream.linear.gather [spmem:s3], $0x4000, $0x38;
	[tilespmem:$0x15080] =	vst v63  }
0x110: {  	_ =	swait.ge [sflag:s1], $0x4000  }
0x111: {  	[sflag:s1] =	ssyncset.done $0x0  }
0x112: {  	s30 =	simm.s32 $0x180;
	[sflag:s1] =	ssyncadd.s32 $0xFFFFC000  }
0x113: {  	[tilespmem:s30], [sflag:$0x10] =	stream.linear.gather [hbm4b:s31+s4], $0x80, $0x38;
	[tilespmem:$0x15080] =	vst v63  }
0x114: {  	_ =	swait.ge [sflag:s5], $0x80  }
0x115: {  	[sflag:s5] =	ssyncset.done $0x0  }
0x116: {  	s2 =	simm.s32 $0xC400;
	s31 =	simm.s32 $0x7;
	[sflag:s5] =	ssyncadd.s32 $0xFFFFFF80  }
0x117: {  	[tilespmem:s2], [sflag:$0x9] =	stream.indirect.gather.add.f32 [hbm:s0], $0x80, s30, s6, $0xb8;
	[tilespmem:$0x15080] =	vst v63  }
0x118: {  	_ =	swait.ge [sflag:s31], $0x4000  }
0x119: {  	s3 =	sld [smem:$0x7FB]  }
0x11a: {  	[sflag:s31] =	ssyncset.done $0x0  }
0x11b: {  	s11 =	simm.s32 $0xB;
	[sflag:s31] =	ssyncadd.s32 $0xFFFFC000  }
0x11c: {  	[hbm4b:s3+s4] =	stream.linear.scatter [tilespmem:s8], [sflag:$0xC], $0x4000, $0x38;
	[tilespmem:$0x15080] =	vst v63  }
0x11d: {  	_ =	swait.ge [sflag:s11], $0x4000  }
0x11e: {  	[sflag:s11] =	ssyncset.done $0x0  }
0x11f: {  	s12 =	simm.s32 $0x5;
	[sflag:s11] =	ssyncadd.s32 $0xFFFFC000  }
0x120: {  	_ =	swait.ge [sflag:s12], $0x4000  }
0x121: {  	[sflag:s12] =	ssyncset.done $0x0  }
0x122: {  	s14 =	simm.s32 $0x200;
	s13 =	rddreg [dreg:$0x12];
	[sflag:s12] =	ssyncadd.s32 $0xFFFFC000  }
0x123: {  	[tilespmem:s14], [sflag:$0x10] =	stream.linear.gather [hbm4b:s13+s4], $0x80, $0x38;
	[tilespmem:$0x15080] =	vst v63  }
0x124: {  	_ =	swait.ge [sflag:s5], $0x80  }
0x125: {  	[sflag:s5] =	ssyncset.done $0x0  }
0x126: {  	s15 =	simm.s32 $0x8;
	[sflag:s5] =	ssyncadd.s32 $0xFFFFFF80  }
0x127: {  	[tilespmem:s9], [sflag:$0xA] =	stream.indirect.gather.add.f32 [hbm:s0], $0x80, s14, s6, $0xb8;
	[tilespmem:$0x15080] =	vst v63  }
0x128: {  	_ =	swait.ge [sflag:s15], $0x4000  }
0x129: {  	s16 =	sld [smem:$0x7FC]  }
0x12a: {  	[sflag:s15] =	ssyncset.done $0x0  }
0x12b: {  	s18 =	simm.s32 $0xC;
	[sflag:s15] =	ssyncadd.s32 $0xFFFFC000  }
0x12c: {  	[hbm4b:s16+s4] =	stream.linear.scatter [tilespmem:s7], [sflag:$0xD], $0x4000, $0x38;
	[tilespmem:$0x15080] =	vst v63  }
0x12d: {  	_ =	swait.ge [sflag:s18], $0x4000  }
0x12e: {  	[sflag:s18] =	ssyncset.done $0x0  }
0x12f: {  	s19 =	simm.s32 $0x9;
	[sflag:s18] =	ssyncadd.s32 $0xFFFFC000  }
0x130: {  	_ =	swait.ge [sflag:s19], $0x4000  }
0x131: {  	s20 =	sld [smem:$0x7FD]  }
0x132: {  	[sflag:s19] =	ssyncset.done $0x0  }
0x133: {  	s22 =	simm.s32 $0xD;
	[sflag:s19] =	ssyncadd.s32 $0xFFFFC000  }
0x134: {  	[hbm4b:s20+s4] =	stream.linear.scatter [tilespmem:s2], [sflag:$0xE], $0x4000, $0x38;
	[tilespmem:$0x15080] =	vst v63  }
0x135: {  	_ =	swait.ge [sflag:s22], $0x4000  }
0x136: {  	[sflag:s22] =	ssyncset.done $0x0  }
0x137: {  	s23 =	simm.s32 $0xA;
	[sflag:s22] =	ssyncadd.s32 $0xFFFFC000  }
0x138: {  	_ =	swait.ge [sflag:s23], $0x4000  }
0x139: {  	[sflag:s23] =	ssyncset.done $0x0  }
0x13a: {  	s25 =	simm.s32 $0xE;
	s24 =	rddreg [dreg:$0x14];
	[sflag:s23] =	ssyncadd.s32 $0xFFFFC000  }
0x13b: {  	[hbm4b:s24+s4] =	stream.linear.scatter [tilespmem:s9], [sflag:$0xF], $0x4000, $0x38;
	[tilespmem:$0x15080] =	vst v63  }
0x13c: {  	_ =	swait.ge [sflag:s25], $0x4000  }
0x13d: {  	[sflag:s25] =	ssyncset.done $0x0  }
0x13e: {  	[sflag:s25] =	ssyncadd.s32 $0xFFFFC000  }
0x13f: {  	_ =	swait.ge [sflag:s21], $0x4000  }
0x140: {  	s30 =	sld [smem:$0x7FA];
	_ =	sdelay $0x2  }
0x141: {  	s31 =	rddreg [dreg:$0x17];
	s2 =	sadd.s32 $0x1, s30  }
0x142: {  	p1 =	sne.s32 s2, s31  }
.Ltmp1:
0x143: {  	_ = 	snop;
	(pc) =	sbr.rel @p1 .LBB2_1-.Ltmp1, $3  }
0x144: {  	_ =	sdelay $0x1  }
0x145: {  	[sflag:s21] =	ssyncset.done $0x0  }
0x146: {  	s13 =	simm.s32 $0x2;
	s22 =	simm.s32 $0x1;
	[sflag:s21] =	ssyncadd.s32 $0xFFFFC000  }
0x147: {  	_ =	sfence.sel $0x180000  }
0x148: {  	[bflag:$0x0] =	sbarrier.arrive $0xFFFF  }
0x149: {  	_ =	strace $0x90000047  }
0x14a: {  	[bflag:$0x2] =	sbarrier.arrive $0xFFFF  }
0x14b: {  	s0 =	rddreg [dreg:$0x5]  }
0x14c: {  	s0 =	sadd.s32 @!p0 $0x100000, s0  }
0x14d: {  	[sflag:s0] =	ssyncadd.tile.s32 @!p0 $0x1;
	_ =	shalt  }
.Lfunc_end2:
_tile_overlayer_lowered:
.L_overlay_start_2:
0x14e: {  	(tag) =	ssettag $0x2  }
0x14f: {  	s0 =	rddreg [dreg:$0x0];
	s2 =	stileid.u32  }
0x150: {  	s1 =	rddreg [dreg:$0x1];
	p0 =	sne.s32 s2, $0x0  }
0x151: {  	s3 =	rddreg [dreg:$0x2];
	[bflag:$0x3] =	sbarrier.arrive $0xFFFF;
	s2 =	simm.s32 @!p0 $0x1C10  }
0x152: {  	[timem:s3], [sflag:s2] =	dma.local @!p0 [hbm:s0], s1  }
0x153: {  	s0 =	simm.s32 @!p0 $0x10  }
0x154: {  	_ =	swait.ge @!p0 [sflag:s0], s1  }
0x155: {  	s1 =	ssub.s32 @!p0 $0x0, s1;
	[sflag:s0] =	ssyncset.done @!p0 $0x0  }
0x156: {  	[sflag:s0] =	ssyncadd.s32 @!p0 s1  }
0x157: {  	[bflag:$0x3] =	sbarrier.arrive $0xFFFF  }
0x158: {  	_ =	shalt  }

</sc_bundles>
